<compile_context>
chip_gen: v7x
topology: tpu7x:2x2x1
jax: 0.10.2.dev20260603
libtpu: 0.0.44.dev20260713+nightly
codegen_flags: <defaults>
</compile_context>

<pallas_src>
import functools

import jax
import jax.numpy as jnp
from jax import lax
from jax.experimental import pallas as pl
from jax.experimental.pallas import tpu as pltpu
from jax.experimental.pallas import tpu_sc as plsc

B = 16384
F = 26
D = 16
NUM_FIELD_ROWS = 100000
TOTAL_ROWS = F * NUM_FIELD_ROWS

NC, NS = 2, 16
NW = NC * NS
ROWS_PER_W = B // NW
IDX_PER_W = ROWS_PER_W * F
CHUNK_ROWS = 4
CHUNK_IDX = CHUNK_ROWS * F
NCHUNK = ROWS_PER_W // CHUNK_ROWS


def _sc_emb_body(xi_hbm, emb_hbm, cross_hbm, idx_v, ebuf, cacc, sem0):
    wid = lax.axis_index("s") * NC + lax.axis_index("c")
    base_idx = wid * IDX_PER_W
    pltpu.sync_copy(xi_hbm.at[pl.ds(base_idx, IDX_PER_W)], idx_v)

    @pl.loop(0, NCHUNK)
    def _chunk(c):
        off = pl.multiple_of(c * CHUNK_IDX, 8)
        cp = pltpu.async_copy(emb_hbm.at[idx_v.at[pl.ds(off, CHUNK_IDX)]],
                              ebuf, sem0)
        cp.wait()
        for r in range(CHUNK_ROWS):
            s = jnp.zeros((D,), jnp.float32)
            q = jnp.zeros((D,), jnp.float32)
            for j in range(F):
                v = ebuf[r * F + j]
                s = s + v
                q = q + v * v
            cacc[c * CHUNK_ROWS + r] = 0.5 * (s * s - q)

    base_row = wid * ROWS_PER_W
    pltpu.sync_copy(cacc, cross_hbm.at[pl.ds(base_row, ROWS_PER_W)])


def _sc_lin_body(xi_hbm, lint_hbm, lin_hbm, idx_v, lbuf, lacc, sem0):
    wid = lax.axis_index("s") * NC + lax.axis_index("c")
    base_idx = wid * IDX_PER_W
    pltpu.sync_copy(xi_hbm.at[pl.ds(base_idx, IDX_PER_W)], idx_v)
    lane = lax.iota(jnp.int32, 16)

    @pl.loop(0, NCHUNK)
    def _chunk(c):
        off = pl.multiple_of(c * CHUNK_IDX, 8)
        cp = pltpu.async_copy(lint_hbm.at[idx_v.at[pl.ds(off, CHUNK_IDX)]],
                              lbuf, sem0)
        cp.wait()
        t = jnp.zeros((16,), jnp.float32)
        for j in range(F):
            idx = jnp.minimum(lane * F + j, CHUNK_IDX - 1)
            t = t + plsc.load_gather(lbuf, [idx])
        rowi = jnp.minimum(c * CHUNK_ROWS + lane, ROWS_PER_W - 1)
        plsc.store_scatter(lacc, [rowi], t, mask=lane < CHUNK_ROWS)

    base_row = wid * ROWS_PER_W
    pltpu.sync_copy(lacc, lin_hbm.at[pl.ds(base_row, ROWS_PER_W)])


@functools.partial(jax.jit, static_argnames=("interpret",))
def _sc_gather_fm(xi, emb_table, lin_flat, interpret=False):
    mesh = plsc.VectorSubcoreMesh(core_axis_name="c", subcore_axis_name="s",
                                  num_cores=NC, num_subcores=NS)
    params = pltpu.CompilerParams(needs_layout_passes=False,
                                  use_tc_tiling_on_sc=False)
    cross = pl.kernel(
        _sc_emb_body,
        out_type=jax.ShapeDtypeStruct((B, D), jnp.float32),
        mesh=mesh,
        compiler_params=params,
        scratch_types=[
            pltpu.VMEM((IDX_PER_W,), jnp.int32),
            pltpu.VMEM((CHUNK_IDX, D), jnp.float32),
            pltpu.VMEM((ROWS_PER_W, D), jnp.float32),
            pltpu.SemaphoreType.DMA,
        ],
        interpret=interpret,
    )(xi, emb_table)
    lin = pl.kernel(
        _sc_lin_body,
        out_type=jax.ShapeDtypeStruct((B,), jnp.float32),
        mesh=mesh,
        compiler_params=params,
        scratch_types=[
            pltpu.VMEM((IDX_PER_W,), jnp.int32),
            pltpu.VMEM((CHUNK_IDX,), jnp.float32),
            pltpu.VMEM((ROWS_PER_W,), jnp.float32),
            pltpu.SemaphoreType.DMA,
        ],
        interpret=interpret,
    )(xi, lin_flat)
    return cross, lin


def _bn(v, g, b, eps=1e-5):
    m = jnp.mean(v, axis=0, keepdims=True)
    var = jnp.mean((v - m) ** 2, axis=0, keepdims=True)
    return (v - m) * lax.rsqrt(var + eps) * g + b


def _tc_body(cross_ref, lin_ref, linb_ref, g0_ref, b0_ref, W1_ref, b1_ref,
             g1_ref, bb1_ref, W2_ref, b2_ref, g2_ref, bb2_ref, W3_ref,
             b3_ref, out_ref):
    h = _bn(cross_ref[...], g0_ref[...], b0_ref[...])
    h = jnp.dot(h, W1_ref[...], preferred_element_type=jnp.float32) + b1_ref[...]
    h = jnp.maximum(_bn(h, g1_ref[...], bb1_ref[...]), 0.0)
    h = jnp.dot(h, W2_ref[...], preferred_element_type=jnp.float32) + b2_ref[...]
    h = jnp.maximum(_bn(h, g2_ref[...], bb2_ref[...]), 0.0)
    o = jnp.dot(h, W3_ref[...], preferred_element_type=jnp.float32) + b3_ref[...]
    z = lin_ref[...] + linb_ref[...] + o
    out_ref[...] = 1.0 / (1.0 + jnp.exp(-z))


@functools.partial(jax.jit, static_argnames=("interpret",))
def _tc_mlp(cross, lin, lin_bias, bn0_g, bn0_b, W1, b1, bn1_g, bn1_b,
            W2, b2, bn2_g, bn2_b, W3, b3, interpret=False):
    args = (
        cross,
        lin.reshape(B, 1),
        lin_bias.reshape(1, 1),
        bn0_g.reshape(1, D), bn0_b.reshape(1, D),
        W1, b1.reshape(1, -1), bn1_g.reshape(1, -1), bn1_b.reshape(1, -1),
        W2, b2.reshape(1, -1), bn2_g.reshape(1, -1), bn2_b.reshape(1, -1),
        W3, b3.reshape(1, 1),
    )
    out = pl.pallas_call(
        _tc_body,
        out_shape=jax.ShapeDtypeStruct((B, 1), jnp.float32),
        interpret=interpret,
    )(*args)
    return out.reshape(B)


def kernel(x, emb_table, lin_table, lin_bias, bn0_g, bn0_b, W1, b1,
           bn1_g, bn1_b, W2, b2, bn2_g, bn2_b, W3, b3):
    offsets = (jnp.arange(F, dtype=x.dtype) * NUM_FIELD_ROWS)[None, :]
    xi = (x + offsets).reshape(-1)
    cross, lin = _sc_gather_fm(xi, emb_table, lin_table.reshape(-1))
    return _tc_mlp(cross, lin, lin_bias, bn0_g, bn0_b, W1, b1, bn1_g, bn1_b,
                   W2, b2, bn2_g, bn2_b, W3, b3)

# --- scband reference (transcript-rebuilt; emitter-appended) ---
"""Pipeline reference for scband-neural-factorization-machine-model-28166395527397 (READ-ONLY COPY).

The authoritative reference and input builder live on the scoring server;
editing this copy changes nothing except your own understanding.
"""

import jax, jax.numpy as jnp
import numpy as np

FIELD_DIMS = [100000] * 26
EMBED_DIM = 16
MLP_DIMS = [64, 32]
BATCH = 16384
TOTAL_ROWS = sum(FIELD_DIMS)


def _batchnorm(x, gamma, beta, eps=1e-5):
    mean = jnp.mean(x, axis=0)
    var = jnp.var(x, axis=0)
    return (x - mean) / jnp.sqrt(var + eps) * gamma + beta


def setup_inputs(seed: int = 0) -> dict:
    key = jax.random.key(seed)
    ks = [jax.random.fold_in(key, i) for i in range(16)]
    x = jax.random.randint(ks[0], (BATCH, len(FIELD_DIMS)), 0, FIELD_DIMS[0], dtype=jnp.int32)
    emb_table = jax.random.normal(ks[1], (TOTAL_ROWS, EMBED_DIM), dtype=jnp.float32) * 0.01
    lin_table = jax.random.normal(ks[2], (TOTAL_ROWS, 1), dtype=jnp.float32) * 0.01
    lin_bias = jnp.zeros((1,), dtype=jnp.float32)
    bn0_g = jnp.ones((EMBED_DIM,), dtype=jnp.float32)
    bn0_b = jnp.zeros((EMBED_DIM,), dtype=jnp.float32)
    W1 = jax.random.normal(ks[3], (EMBED_DIM, MLP_DIMS[0]), dtype=jnp.float32) * (1.0 / np.sqrt(EMBED_DIM))
    b1 = jnp.zeros((MLP_DIMS[0],), dtype=jnp.float32)
    bn1_g = jnp.ones((MLP_DIMS[0],), dtype=jnp.float32)
    bn1_b = jnp.zeros((MLP_DIMS[0],), dtype=jnp.float32)
    W2 = jax.random.normal(ks[4], (MLP_DIMS[0], MLP_DIMS[1]), dtype=jnp.float32) * (1.0 / np.sqrt(MLP_DIMS[0]))
    b2 = jnp.zeros((MLP_DIMS[1],), dtype=jnp.float32)
    bn2_g = jnp.ones((MLP_DIMS[1],), dtype=jnp.float32)
    bn2_b = jnp.zeros((MLP_DIMS[1],), dtype=jnp.float32)
    W3 = jax.random.normal(ks[5], (MLP_DIMS[1], 1), dtype=jnp.float32) * (1.0 / np.sqrt(MLP_DIMS[1]))
    b3 = jnp.zeros((1,), dtype=jnp.float32)
    return {"x": x, "emb_table": emb_table, "lin_table": lin_table, "lin_bias": lin_bias,
            "bn0_g": bn0_g, "bn0_b": bn0_b, "W1": W1, "b1": b1, "bn1_g": bn1_g, "bn1_b": bn1_b,
            "W2": W2, "b2": b2, "bn2_g": bn2_g, "bn2_b": bn2_b, "W3": W3, "b3": b3}


def reference(x, emb_table, lin_table, lin_bias, bn0_g, bn0_b, W1, b1, bn1_g, bn1_b, W2, b2, bn2_g, bn2_b, W3, b3):
    offsets = jnp.asarray(np.concatenate(([0], np.cumsum(FIELD_DIMS)[:-1])), dtype=x.dtype)
    xi = x + offsets[None, :]
    # FeaturesEmbedding: gather [B, F, D]
    emb = jnp.take(emb_table, xi, axis=0)
    # FactorizationMachine(reduce_sum=False): 0.5 * ((sum_f e)^2 - sum_f e^2) -> [B, D]
    square_of_sum = jnp.sum(emb, axis=1) ** 2
    sum_of_square = jnp.sum(emb ** 2, axis=1)
    cross = 0.5 * (square_of_sum - sum_of_square)
    # BatchNorm1d over embed_dim (batch statistics); dropout = identity
    cross = _batchnorm(cross, bn0_g, bn0_b)
    # FeaturesLinear: gather [B, F, 1] -> sum over fields + bias
    lin = jnp.sum(jnp.take(lin_table, xi, axis=0), axis=1) + lin_bias
    # MLP: Linear -> BN -> ReLU (-> Dropout identity) x2, then Linear to 1
    h = jax.nn.relu(_batchnorm(cross @ W1 + b1, bn1_g, bn1_b))
    h = jax.nn.relu(_batchnorm(h @ W2 + b2, bn2_g, bn2_b))
    out = h @ W3 + b3
    y = jax.nn.sigmoid(jnp.squeeze(lin + out, axis=1))
    return y

if __name__ == "__main__":
    import jax
    _d = setup_inputs()
    print(jax.jit(kernel)(*tuple(_d.values())))

</pallas_src>

<mosaic_0001>
#map = affine_map<(d0, d1) -> (0)>
module attributes {stable_mosaic.version = 14 : i64} {
  func.func @_sc_lin_body(%arg0: i32, %arg1: i32, %arg2: memref<425984xi32, #tpu.memory_space<hbm>>, %arg3: memref<2600000xf32, #tpu.memory_space<hbm>>, %arg4: memref<16384xf32, #tpu.memory_space<hbm>>, %arg5: memref<13312xi32, #tpu.memory_space<vmem>>, %arg6: memref<104xf32, #tpu.memory_space<vmem>>, %arg7: memref<512xf32, #tpu.memory_space<vmem>>, %arg8: memref<!tpu.dma_semaphore, #tpu.memory_space<semaphore_mem>>) attributes {dimension_semantics = [#tpu.dimension_semantics<core_parallel>, #tpu.dimension_semantics<subcore_parallel>], iteration_bounds = array<i64: 2, 16>, scalar_prefetch = 0 : i64, scratch_operands = 4 : i64, tpu.core_type = #tpu.core_type<sc_vector_subcore>, window_params = [{transform_indices = #map}, {transform_indices = #map}, {transform_indices = #map}]} {
    %mul3A = arith.constant 2 : i32
    %mul3A_0 = arith.muli %arg1, %mul3A : i32
    %add3A = arith.addi %mul3A_0, %arg0 : i32
    %mul3A_1 = arith.constant 13312 : i32
    %mul3A_2 = arith.muli %add3A, %mul3A_1 : i32
    "tpu.region"() ({
      %run_scoped3A = tpu.sem_alloc : memref<!tpu.dma_semaphore, #tpu.memory_space<semaphore_mem>>
      %dma_start3A = tpu.memref_slice %arg2[%mul3A_2] : memref<425984xi32, #tpu.memory_space<hbm>> -> memref<13312xi32, #tpu.memory_space<hbm>>
      %dma_start3A_9 = tpu.memref_slice %arg2[%mul3A_2] : memref<425984xi32, #tpu.memory_space<hbm>> -> memref<13312xi32, #tpu.memory_space<hbm>>
      tpu.enqueue_dma source(%dma_start3A_9 : memref<13312xi32, #tpu.memory_space<hbm>>) target(%arg5 : memref<13312xi32, #tpu.memory_space<vmem>>) target_semaphore(%run_scoped3A : memref<!tpu.dma_semaphore, #tpu.memory_space<semaphore_mem>>)
      %dma_wait3A = tpu.memref_slice %arg2[%mul3A_2] : memref<425984xi32, #tpu.memory_space<hbm>> -> memref<13312xi32, #tpu.memory_space<hbm>>
      %dma_wait3A_10 = tpu.memref_slice %arg2[%mul3A_2] : memref<425984xi32, #tpu.memory_space<hbm>> -> memref<13312xi32, #tpu.memory_space<hbm>>
      tpu.wait_dma2 semaphore(%run_scoped3A : memref<!tpu.dma_semaphore, #tpu.memory_space<semaphore_mem>>) src(%dma_wait3A_10 : memref<13312xi32, #tpu.memory_space<hbm>>) dst(%arg5 : memref<13312xi32, #tpu.memory_space<vmem>>)
      tpu.yield
    }) : () -> ()
    %iota3A = tpu.iota {dimensions = array<i32: 0>} : vector<16xi32>
    %scan3A = arith.constant 0 : i32
    %scan3A_3 = arith.constant 128 : i32
    %scan3A_4 = arith.addi %scan3A, %scan3A_3 : i32
    %scan3A_5 = arith.constant 1 : i32
    scf.for %scan3A_9 = %scan3A to %scan3A_4 step %scan3A_5  : i32 {
      %mul3A_10 = arith.constant 1 : i32
      %mul3A_11 = arith.muli %scan3A_9, %mul3A_10 : i32
      %add3A_12 = arith.constant 0 : i32
      %add3A_13 = arith.addi %add3A_12, %mul3A_11 : i32
      %mul3A_14 = arith.constant 104 : i32
      %mul3A_15 = arith.muli %add3A_13, %mul3A_14 : i32
      %multiple_of3A = tpu.assume_multiple %mul3A_15, 8 : i32
      %dma_start3A = tpu.memref_slice %arg5[%multiple_of3A] : memref<13312xi32, #tpu.memory_space<vmem>> -> memref<104xi32, #tpu.memory_space<vmem>>
      %dma_start3A_16 = arith.constant 0 : i32
      %dma_start3A_17 = tpu.memref_slice %arg3[%dma_start3A_16] : memref<2600000xf32, #tpu.memory_space<hbm>> -> memref<2600000xf32, #tpu.memory_space<hbm>>
      tpu.enqueue_indirect_dma source(%dma_start3A_17 : memref<2600000xf32, #tpu.memory_space<hbm>>) target(%arg6 : memref<104xf32, #tpu.memory_space<vmem>>) offsets(%dma_start3A : memref<104xi32, #tpu.memory_space<vmem>>) semaphore(%arg8 : memref<!tpu.dma_semaphore, #tpu.memory_space<semaphore_mem>>)
      %dma_wait3A = tpu.memref_slice %arg5[%multiple_of3A] : memref<13312xi32, #tpu.memory_space<vmem>> -> memref<104xi32, #tpu.memory_space<vmem>>
      %dma_wait3A_18 = arith.constant 0 : i32
      %dma_wait3A_19 = tpu.memref_slice %arg3[%dma_wait3A_18] : memref<2600000xf32, #tpu.memory_space<hbm>> -> memref<2600000xf32, #tpu.memory_space<hbm>>
      tpu.wait_indirect_dma semaphore(%arg8 : memref<!tpu.dma_semaphore, #tpu.memory_space<semaphore_mem>>) src(%dma_wait3A_19 : memref<2600000xf32, #tpu.memory_space<hbm>>) dst(%arg6 : memref<104xf32, #tpu.memory_space<vmem>>)
      %broadcast_in_dim3A = arith.constant 0.000000e+00 : f32
      %broadcast_in_dim3A_20 = vector.broadcast %broadcast_in_dim3A : f32 to vector<16xf32>
      %mul3A_21 = arith.constant 26 : i32
      %mul3A_22 = vector.broadcast %mul3A_21 : i32 to vector<16xi32>
      %mul3A_23 = arith.muli %iota3A, %mul3A_22 : vector<16xi32>
      %add3A_24 = arith.constant 0 : i32
      %add3A_25 = vector.broadcast %add3A_24 : i32 to vector<16xi32>
      %add3A_26 = arith.addi %mul3A_23, %add3A_25 : vector<16xi32>
      %min3A = arith.constant 103 : i32
      %min3A_27 = vector.broadcast %min3A : i32 to vector<16xi32>
      %min3A_28 = arith.minsi %add3A_26, %min3A_27 : vector<16xi32>
      %gather3A = tpu.vector_load_idx %arg6[%min3A_28] : memref<104xf32, #tpu.memory_space<vmem>>[vector<16xi32>], vector<16xf32>,
      %add3A_29 = arith.addf %broadcast_in_dim3A_20, %gather3A : vector<16xf32>
      %mul3A_30 = arith.constant 26 : i32
      %mul3A_31 = vector.broadcast %mul3A_30 : i32 to vector<16xi32>
      %mul3A_32 = arith.muli %iota3A, %mul3A_31 : vector<16xi32>
      %add3A_33 = arith.constant 1 : i32
      %add3A_34 = vector.broadcast %add3A_33 : i32 to vector<16xi32>
      %add3A_35 = arith.addi %mul3A_32, %add3A_34 : vector<16xi32>
      %min3A_36 = arith.constant 103 : i32
      %min3A_37 = vector.broadcast %min3A_36 : i32 to vector<16xi32>
      %min3A_38 = arith.minsi %add3A_35, %min3A_37 : vector<16xi32>
      %gather3A_39 = tpu.vector_load_idx %arg6[%min3A_38] : memref<104xf32, #tpu.memory_space<vmem>>[vector<16xi32>], vector<16xf32>,
      %add3A_40 = arith.addf %add3A_29, %gather3A_39 : vector<16xf32>
      %mul3A_41 = arith.constant 26 : i32
      %mul3A_42 = vector.broadcast %mul3A_41 : i32 to vector<16xi32>
      %mul3A_43 = arith.muli %iota3A, %mul3A_42 : vector<16xi32>
      %add3A_44 = arith.constant 2 : i32
      %add3A_45 = vector.broadcast %add3A_44 : i32 to vector<16xi32>
      %add3A_46 = arith.addi %mul3A_43, %add3A_45 : vector<16xi32>
      %min3A_47 = arith.constant 103 : i32
      %min3A_48 = vector.broadcast %min3A_47 : i32 to vector<16xi32>
      %min3A_49 = arith.minsi %add3A_46, %min3A_48 : vector<16xi32>
      %gather3A_50 = tpu.vector_load_idx %arg6[%min3A_49] : memref<104xf32, #tpu.memory_space<vmem>>[vector<16xi32>], vector<16xf32>,
      %add3A_51 = arith.addf %add3A_40, %gather3A_50 : vector<16xf32>
      %mul3A_52 = arith.constant 26 : i32
      %mul3A_53 = vector.broadcast %mul3A_52 : i32 to vector<16xi32>
      %mul3A_54 = arith.muli %iota3A, %mul3A_53 : vector<16xi32>
      %add3A_55 = arith.constant 3 : i32
      %add3A_56 = vector.broadcast %add3A_55 : i32 to vector<16xi32>
      %add3A_57 = arith.addi %mul3A_54, %add3A_56 : vector<16xi32>
      %min3A_58 = arith.constant 103 : i32
      %min3A_59 = vector.broadcast %min3A_58 : i32 to vector<16xi32>
      %min3A_60 = arith.minsi %add3A_57, %min3A_59 : vector<16xi32>
      %gather3A_61 = tpu.vector_load_idx %arg6[%min3A_60] : memref<104xf32, #tpu.memory_space<vmem>>[vector<16xi32>], vector<16xf32>,
      %add3A_62 = arith.addf %add3A_51, %gather3A_61 : vector<16xf32>
      %mul3A_63 = arith.constant 26 : i32
      %mul3A_64 = vector.broadcast %mul3A_63 : i32 to vector<16xi32>
      %mul3A_65 = arith.muli %iota3A, %mul3A_64 : vector<16xi32>
      %add3A_66 = arith.constant 4 : i32
      %add3A_67 = vector.broadcast %add3A_66 : i32 to vector<16xi32>
      %add3A_68 = arith.addi %mul3A_65, %add3A_67 : vector<16xi32>
      %min3A_69 = arith.constant 103 : i32
      %min3A_70 = vector.broadcast %min3A_69 : i32 to vector<16xi32>
      %min3A_71 = arith.minsi %add3A_68, %min3A_70 : vector<16xi32>
      %gather3A_72 = tpu.vector_load_idx %arg6[%min3A_71] : memref<104xf32, #tpu.memory_space<vmem>>[vector<16xi32>], vector<16xf32>,
      %add3A_73 = arith.addf %add3A_62, %gather3A_72 : vector<16xf32>
      %mul3A_74 = arith.constant 26 : i32
      %mul3A_75 = vector.broadcast %mul3A_74 : i32 to vector<16xi32>
      %mul3A_76 = arith.muli %iota3A, %mul3A_75 : vector<16xi32>
      %add3A_77 = arith.constant 5 : i32
      %add3A_78 = vector.broadcast %add3A_77 : i32 to vector<16xi32>
      %add3A_79 = arith.addi %mul3A_76, %add3A_78 : vector<16xi32>
      %min3A_80 = arith.constant 103 : i32
      %min3A_81 = vector.broadcast %min3A_80 : i32 to vector<16xi32>
      %min3A_82 = arith.minsi %add3A_79, %min3A_81 : vector<16xi32>
      %gather3A_83 = tpu.vector_load_idx %arg6[%min3A_82] : memref<104xf32, #tpu.memory_space<vmem>>[vector<16xi32>], vector<16xf32>,
      %add3A_84 = arith.addf %add3A_73, %gather3A_83 : vector<16xf32>
      %mul3A_85 = arith.constant 26 : i32
      %mul3A_86 = vector.broadcast %mul3A_85 : i32 to vector<16xi32>
      %mul3A_87 = arith.muli %iota3A, %mul3A_86 : vector<16xi32>
      %add3A_88 = arith.constant 6 : i32
      %add3A_89 = vector.broadcast %add3A_88 : i32 to vector<16xi32>
      %add3A_90 = arith.addi %mul3A_87, %add3A_89 : vector<16xi32>
      %min3A_91 = arith.constant 103 : i32
      %min3A_92 = vector.broadcast %min3A_91 : i32 to vector<16xi32>
      %min3A_93 = arith.minsi %add3A_90, %min3A_92 : vector<16xi32>
      %gather3A_94 = tpu.vector_load_idx %arg6[%min3A_93] : memref<104xf32, #tpu.memory_space<vmem>>[vector<16xi32>], vector<16xf32>,
      %add3A_95 = arith.addf %add3A_84, %gather3A_94 : vector<16xf32>
      %mul3A_96 = arith.constant 26 : i32
      %mul3A_97 = vector.broadcast %mul3A_96 : i32 to vector<16xi32>
      %mul3A_98 = arith.muli %iota3A, %mul3A_97 : vector<16xi32>
      %add3A_99 = arith.constant 7 : i32
      %add3A_100 = vector.broadcast %add3A_99 : i32 to vector<16xi32>
      %add3A_101 = arith.addi %mul3A_98, %add3A_100 : vector<16xi32>
      %min3A_102 = arith.constant 103 : i32
      %min3A_103 = vector.broadcast %min3A_102 : i32 to vector<16xi32>
      %min3A_104 = arith.minsi %add3A_101, %min3A_103 : vector<16xi32>
      %gather3A_105 = tpu.vector_load_idx %arg6[%min3A_104] : memref<104xf32, #tpu.memory_space<vmem>>[vector<16xi32>], vector<16xf32>,
      %add3A_106 = arith.addf %add3A_95, %gather3A_105 : vector<16xf32>
      %mul3A_107 = arith.constant 26 : i32
      %mul3A_108 = vector.broadcast %mul3A_107 : i32 to vector<16xi32>
      %mul3A_109 = arith.muli %iota3A, %mul3A_108 : vector<16xi32>
      %add3A_110 = arith.constant 8 : i32
      %add3A_111 = vector.broadcast %add3A_110 : i32 to vector<16xi32>
      %add3A_112 = arith.addi %mul3A_109, %add3A_111 : vector<16xi32>
      %min3A_113 = arith.constant 103 : i32
      %min3A_114 = vector.broadcast %min3A_113 : i32 to vector<16xi32>
      %min3A_115 = arith.minsi %add3A_112, %min3A_114 : vector<16xi32>
      %gather3A_116 = tpu.vector_load_idx %arg6[%min3A_115] : memref<104xf32, #tpu.memory_space<vmem>>[vector<16xi32>], vector<16xf32>,
      %add3A_117 = arith.addf %add3A_106, %gather3A_116 : vector<16xf32>
      %mul3A_118 = arith.constant 26 : i32
      %mul3A_119 = vector.broadcast %mul3A_118 : i32 to vector<16xi32>
      %mul3A_120 = arith.muli %iota3A, %mul3A_119 : vector<16xi32>
      %add3A_121 = arith.constant 9 : i32
      %add3A_122 = vector.broadcast %add3A_121 : i32 to vector<16xi32>
      %add3A_123 = arith.addi %mul3A_120, %add3A_122 : vector<16xi32>
      %min3A_124 = arith.constant 103 : i32
      %min3A_125 = vector.broadcast %min3A_124 : i32 to vector<16xi32>
      %min3A_126 = arith.minsi %add3A_123, %min3A_125 : vector<16xi32>
      %gather3A_127 = tpu.vector_load_idx %arg6[%min3A_126] : memref<104xf32, #tpu.memory_space<vmem>>[vector<16xi32>], vector<16xf32>,
      %add3A_128 = arith.addf %add3A_117, %gather3A_127 : vector<16xf32>
      %mul3A_129 = arith.constant 26 : i32
      %mul3A_130 = vector.broadcast %mul3A_129 : i32 to vector<16xi32>
      %mul3A_131 = arith.muli %iota3A, %mul3A_130 : vector<16xi32>
      %add3A_132 = arith.constant 10 : i32
      %add3A_133 = vector.broadcast %add3A_132 : i32 to vector<16xi32>
      %add3A_134 = arith.addi %mul3A_131, %add3A_133 : vector<16xi32>
      %min3A_135 = arith.constant 103 : i32
      %min3A_136 = vector.broadcast %min3A_135 : i32 to vector<16xi32>
      %min3A_137 = arith.minsi %add3A_134, %min3A_136 : vector<16xi32>
      %gather3A_138 = tpu.vector_load_idx %arg6[%min3A_137] : memref<104xf32, #tpu.memory_space<vmem>>[vector<16xi32>], vector<16xf32>,
      %add3A_139 = arith.addf %add3A_128, %gather3A_138 : vector<16xf32>
      %mul3A_140 = arith.constant 26 : i32
      %mul3A_141 = vector.broadcast %mul3A_140 : i32 to vector<16xi32>
      %mul3A_142 = arith.muli %iota3A, %mul3A_141 : vector<16xi32>
      %add3A_143 = arith.constant 11 : i32
      %add3A_144 = vector.broadcast %add3A_143 : i32 to vector<16xi32>
      %add3A_145 = arith.addi %mul3A_142, %add3A_144 : vector<16xi32>
      %min3A_146 = arith.constant 103 : i32
      %min3A_147 = vector.broadcast %min3A_146 : i32 to vector<16xi32>
      %min3A_148 = arith.minsi %add3A_145, %min3A_147 : vector<16xi32>
      %gather3A_149 = tpu.vector_load_idx %arg6[%min3A_148] : memref<104xf32, #tpu.memory_space<vmem>>[vector<16xi32>], vector<16xf32>,
      %add3A_150 = arith.addf %add3A_139, %gather3A_149 : vector<16xf32>
      %mul3A_151 = arith.constant 26 : i32
      %mul3A_152 = vector.broadcast %mul3A_151 : i32 to vector<16xi32>
      %mul3A_153 = arith.muli %iota3A, %mul3A_152 : vector<16xi32>
      %add3A_154 = arith.constant 12 : i32
      %add3A_155 = vector.broadcast %add3A_154 : i32 to vector<16xi32>
      %add3A_156 = arith.addi %mul3A_153, %add3A_155 : vector<16xi32>
      %min3A_157 = arith.constant 103 : i32
      %min3A_158 = vector.broadcast %min3A_157 : i32 to vector<16xi32>
      %min3A_159 = arith.minsi %add3A_156, %min3A_158 : vector<16xi32>
      %gather3A_160 = tpu.vector_load_idx %arg6[%min3A_159] : memref<104xf32, #tpu.memory_space<vmem>>[vector<16xi32>], vector<16xf32>,
      %add3A_161 = arith.addf %add3A_150, %gather3A_160 : vector<16xf32>
      %mul3A_162 = arith.constant 26 : i32
      %mul3A_163 = vector.broadcast %mul3A_162 : i32 to vector<16xi32>
      %mul3A_164 = arith.muli %iota3A, %mul3A_163 : vector<16xi32>
      %add3A_165 = arith.constant 13 : i32
      %add3A_166 = vector.broadcast %add3A_165 : i32 to vector<16xi32>
      %add3A_167 = arith.addi %mul3A_164, %add3A_166 : vector<16xi32>
      %min3A_168 = arith.constant 103 : i32
      %min3A_169 = vector.broadcast %min3A_168 : i32 to vector<16xi32>
      %min3A_170 = arith.minsi %add3A_167, %min3A_169 : vector<16xi32>
      %gather3A_171 = tpu.vector_load_idx %arg6[%min3A_170] : memref<104xf32, #tpu.memory_space<vmem>>[vector<16xi32>], vector<16xf32>,
      %add3A_172 = arith.addf %add3A_161, %gather3A_171 : vector<16xf32>
      %mul3A_173 = arith.constant 26 : i32
      %mul3A_174 = vector.broadcast %mul3A_173 : i32 to vector<16xi32>
      %mul3A_175 = arith.muli %iota3A, %mul3A_174 : vector<16xi32>
      %add3A_176 = arith.constant 14 : i32
      %add3A_177 = vector.broadcast %add3A_176 : i32 to vector<16xi32>
      %add3A_178 = arith.addi %mul3A_175, %add3A_177 : vector<16xi32>
      %min3A_179 = arith.constant 103 : i32
      %min3A_180 = vector.broadcast %min3A_179 : i32 to vector<16xi32>
      %min3A_181 = arith.minsi %add3A_178, %min3A_180 : vector<16xi32>
      %gather3A_182 = tpu.vector_load_idx %arg6[%min3A_181] : memref<104xf32, #tpu.memory_space<vmem>>[vector<16xi32>], vector<16xf32>,
      %add3A_183 = arith.addf %add3A_172, %gather3A_182 : vector<16xf32>
      %mul3A_184 = arith.constant 26 : i32
      %mul3A_185 = vector.broadcast %mul3A_184 : i32 to vector<16xi32>
      %mul3A_186 = arith.muli %iota3A, %mul3A_185 : vector<16xi32>
      %add3A_187 = arith.constant 15 : i32
      %add3A_188 = vector.broadcast %add3A_187 : i32 to vector<16xi32>
      %add3A_189 = arith.addi %mul3A_186, %add3A_188 : vector<16xi32>
      %min3A_190 = arith.constant 103 : i32
      %min3A_191 = vector.broadcast %min3A_190 : i32 to vector<16xi32>
      %min3A_192 = arith.minsi %add3A_189, %min3A_191 : vector<16xi32>
      %gather3A_193 = tpu.vector_load_idx %arg6[%min3A_192] : memref<104xf32, #tpu.memory_space<vmem>>[vector<16xi32>], vector<16xf32>,
      %add3A_194 = arith.addf %add3A_183, %gather3A_193 : vector<16xf32>
      %mul3A_195 = arith.constant 26 : i32
      %mul3A_196 = vector.broadcast %mul3A_195 : i32 to vector<16xi32>
      %mul3A_197 = arith.muli %iota3A, %mul3A_196 : vector<16xi32>
      %add3A_198 = arith.constant 16 : i32
      %add3A_199 = vector.broadcast %add3A_198 : i32 to vector<16xi32>
      %add3A_200 = arith.addi %mul3A_197, %add3A_199 : vector<16xi32>
      %min3A_201 = arith.constant 103 : i32
      %min3A_202 = vector.broadcast %min3A_201 : i32 to vector<16xi32>
      %min3A_203 = arith.minsi %add3A_200, %min3A_202 : vector<16xi32>
      %gather3A_204 = tpu.vector_load_idx %arg6[%min3A_203] : memref<104xf32, #tpu.memory_space<vmem>>[vector<16xi32>], vector<16xf32>,
      %add3A_205 = arith.addf %add3A_194, %gather3A_204 : vector<16xf32>
      %mul3A_206 = arith.constant 26 : i32
      %mul3A_207 = vector.broadcast %mul3A_206 : i32 to vector<16xi32>
      %mul3A_208 = arith.muli %iota3A, %mul3A_207 : vector<16xi32>
      %add3A_209 = arith.constant 17 : i32
      %add3A_210 = vector.broadcast %add3A_209 : i32 to vector<16xi32>
      %add3A_211 = arith.addi %mul3A_208, %add3A_210 : vector<16xi32>
      %min3A_212 = arith.constant 103 : i32
      %min3A_213 = vector.broadcast %min3A_212 : i32 to vector<16xi32>
      %min3A_214 = arith.minsi %add3A_211, %min3A_213 : vector<16xi32>
      %gather3A_215 = tpu.vector_load_idx %arg6[%min3A_214] : memref<104xf32, #tpu.memory_space<vmem>>[vector<16xi32>], vector<16xf32>,
      %add3A_216 = arith.addf %add3A_205, %gather3A_215 : vector<16xf32>
      %mul3A_217 = arith.constant 26 : i32
      %mul3A_218 = vector.broadcast %mul3A_217 : i32 to vector<16xi32>
      %mul3A_219 = arith.muli %iota3A, %mul3A_218 : vector<16xi32>
      %add3A_220 = arith.constant 18 : i32
      %add3A_221 = vector.broadcast %add3A_220 : i32 to vector<16xi32>
      %add3A_222 = arith.addi %mul3A_219, %add3A_221 : vector<16xi32>
      %min3A_223 = arith.constant 103 : i32
      %min3A_224 = vector.broadcast %min3A_223 : i32 to vector<16xi32>
      %min3A_225 = arith.minsi %add3A_222, %min3A_224 : vector<16xi32>
      %gather3A_226 = tpu.vector_load_idx %arg6[%min3A_225] : memref<104xf32, #tpu.memory_space<vmem>>[vector<16xi32>], vector<16xf32>,
      %add3A_227 = arith.addf %add3A_216, %gather3A_226 : vector<16xf32>
      %mul3A_228 = arith.constant 26 : i32
      %mul3A_229 = vector.broadcast %mul3A_228 : i32 to vector<16xi32>
      %mul3A_230 = arith.muli %iota3A, %mul3A_229 : vector<16xi32>
      %add3A_231 = arith.constant 19 : i32
      %add3A_232 = vector.broadcast %add3A_231 : i32 to vector<16xi32>
      %add3A_233 = arith.addi %mul3A_230, %add3A_232 : vector<16xi32>
      %min3A_234 = arith.constant 103 : i32
      %min3A_235 = vector.broadcast %min3A_234 : i32 to vector<16xi32>
      %min3A_236 = arith.minsi %add3A_233, %min3A_235 : vector<16xi32>
      %gather3A_237 = tpu.vector_load_idx %arg6[%min3A_236] : memref<104xf32, #tpu.memory_space<vmem>>[vector<16xi32>], vector<16xf32>,
      %add3A_238 = arith.addf %add3A_227, %gather3A_237 : vector<16xf32>
      %mul3A_239 = arith.constant 26 : i32
      %mul3A_240 = vector.broadcast %mul3A_239 : i32 to vector<16xi32>
      %mul3A_241 = arith.muli %iota3A, %mul3A_240 : vector<16xi32>
      %add3A_242 = arith.constant 20 : i32
      %add3A_243 = vector.broadcast %add3A_242 : i32 to vector<16xi32>
      %add3A_244 = arith.addi %mul3A_241, %add3A_243 : vector<16xi32>
      %min3A_245 = arith.constant 103 : i32
      %min3A_246 = vector.broadcast %min3A_245 : i32 to vector<16xi32>
      %min3A_247 = arith.minsi %add3A_244, %min3A_246 : vector<16xi32>
      %gather3A_248 = tpu.vector_load_idx %arg6[%min3A_247] : memref<104xf32, #tpu.memory_space<vmem>>[vector<16xi32>], vector<16xf32>,
      %add3A_249 = arith.addf %add3A_238, %gather3A_248 : vector<16xf32>
      %mul3A_250 = arith.constant 26 : i32
      %mul3A_251 = vector.broadcast %mul3A_250 : i32 to vector<16xi32>
      %mul3A_252 = arith.muli %iota3A, %mul3A_251 : vector<16xi32>
      %add3A_253 = arith.constant 21 : i32
      %add3A_254 = vector.broadcast %add3A_253 : i32 to vector<16xi32>
      %add3A_255 = arith.addi %mul3A_252, %add3A_254 : vector<16xi32>
      %min3A_256 = arith.constant 103 : i32
      %min3A_257 = vector.broadcast %min3A_256 : i32 to vector<16xi32>
      %min3A_258 = arith.minsi %add3A_255, %min3A_257 : vector<16xi32>
      %gather3A_259 = tpu.vector_load_idx %arg6[%min3A_258] : memref<104xf32, #tpu.memory_space<vmem>>[vector<16xi32>], vector<16xf32>,
      %add3A_260 = arith.addf %add3A_249, %gather3A_259 : vector<16xf32>
      %mul3A_261 = arith.constant 26 : i32
      %mul3A_262 = vector.broadcast %mul3A_261 : i32 to vector<16xi32>
      %mul3A_263 = arith.muli %iota3A, %mul3A_262 : vector<16xi32>
      %add3A_264 = arith.constant 22 : i32
      %add3A_265 = vector.broadcast %add3A_264 : i32 to vector<16xi32>
      %add3A_266 = arith.addi %mul3A_263, %add3A_265 : vector<16xi32>
      %min3A_267 = arith.constant 103 : i32
      %min3A_268 = vector.broadcast %min3A_267 : i32 to vector<16xi32>
      %min3A_269 = arith.minsi %add3A_266, %min3A_268 : vector<16xi32>
      %gather3A_270 = tpu.vector_load_idx %arg6[%min3A_269] : memref<104xf32, #tpu.memory_space<vmem>>[vector<16xi32>], vector<16xf32>,
      %add3A_271 = arith.addf %add3A_260, %gather3A_270 : vector<16xf32>
      %mul3A_272 = arith.constant 26 : i32
      %mul3A_273 = vector.broadcast %mul3A_272 : i32 to vector<16xi32>
      %mul3A_274 = arith.muli %iota3A, %mul3A_273 : vector<16xi32>
      %add3A_275 = arith.constant 23 : i32
      %add3A_276 = vector.broadcast %add3A_275 : i32 to vector<16xi32>
      %add3A_277 = arith.addi %mul3A_274, %add3A_276 : vector<16xi32>
      %min3A_278 = arith.constant 103 : i32
      %min3A_279 = vector.broadcast %min3A_278 : i32 to vector<16xi32>
      %min3A_280 = arith.minsi %add3A_277, %min3A_279 : vector<16xi32>
      %gather3A_281 = tpu.vector_load_idx %arg6[%min3A_280] : memref<104xf32, #tpu.memory_space<vmem>>[vector<16xi32>], vector<16xf32>,
      %add3A_282 = arith.addf %add3A_271, %gather3A_281 : vector<16xf32>
      %mul3A_283 = arith.constant 26 : i32
      %mul3A_284 = vector.broadcast %mul3A_283 : i32 to vector<16xi32>
      %mul3A_285 = arith.muli %iota3A, %mul3A_284 : vector<16xi32>
      %add3A_286 = arith.constant 24 : i32
      %add3A_287 = vector.broadcast %add3A_286 : i32 to vector<16xi32>
      %add3A_288 = arith.addi %mul3A_285, %add3A_287 : vector<16xi32>
      %min3A_289 = arith.constant 103 : i32
      %min3A_290 = vector.broadcast %min3A_289 : i32 to vector<16xi32>
      %min3A_291 = arith.minsi %add3A_288, %min3A_290 : vector<16xi32>
      %gather3A_292 = tpu.vector_load_idx %arg6[%min3A_291] : memref<104xf32, #tpu.memory_space<vmem>>[vector<16xi32>], vector<16xf32>,
      %add3A_293 = arith.addf %add3A_282, %gather3A_292 : vector<16xf32>
      %mul3A_294 = arith.constant 26 : i32
      %mul3A_295 = vector.broadcast %mul3A_294 : i32 to vector<16xi32>
      %mul3A_296 = arith.muli %iota3A, %mul3A_295 : vector<16xi32>
      %add3A_297 = arith.constant 25 : i32
      %add3A_298 = vector.broadcast %add3A_297 : i32 to vector<16xi32>
      %add3A_299 = arith.addi %mul3A_296, %add3A_298 : vector<16xi32>
      %min3A_300 = arith.constant 103 : i32
      %min3A_301 = vector.broadcast %min3A_300 : i32 to vector<16xi32>
      %min3A_302 = arith.minsi %add3A_299, %min3A_301 : vector<16xi32>
      %gather3A_303 = tpu.vector_load_idx %arg6[%min3A_302] : memref<104xf32, #tpu.memory_space<vmem>>[vector<16xi32>], vector<16xf32>,
      %add3A_304 = arith.addf %add3A_293, %gather3A_303 : vector<16xf32>
      %mul3A_305 = arith.constant 4 : i32
      %mul3A_306 = arith.muli %add3A_13, %mul3A_305 : i32
      %add3A_307 = vector.broadcast %mul3A_306 : i32 to vector<16xi32>
      %add3A_308 = arith.addi %add3A_307, %iota3A : vector<16xi32>
      %min3A_309 = arith.constant 511 : i32
      %min3A_310 = vector.broadcast %min3A_309 : i32 to vector<16xi32>
      %min3A_311 = arith.minsi %add3A_308, %min3A_310 : vector<16xi32>
      %lt3A = arith.constant 4 : i32
      %lt3A_312 = vector.broadcast %lt3A : i32 to vector<16xi32>
      %lt3A_313 = arith.cmpi slt, %iota3A, %lt3A_312 : vector<16xi32>
      tpu.vector_store_idx %arg7[%min3A_311], %add3A_304 masked %lt3A_313 : memref<512xf32, #tpu.memory_space<vmem>>[vector<16xi32>], vector<16xf32>, vector<16xi1>
    }
    %scan3A_6 = arith.constant 128 : i32
    %mul3A_7 = arith.constant 512 : i32
    %mul3A_8 = arith.muli %add3A, %mul3A_7 : i32
    "tpu.region"() ({
      %run_scoped3A = tpu.sem_alloc : memref<!tpu.dma_semaphore, #tpu.memory_space<semaphore_mem>>
      %dma_start3A = tpu.memref_slice %arg4[%mul3A_8] : memref<16384xf32, #tpu.memory_space<hbm>> -> memref<512xf32, #tpu.memory_space<hbm>>
      %dma_start3A_9 = tpu.memref_slice %arg4[%mul3A_8] : memref<16384xf32, #tpu.memory_space<hbm>> -> memref<512xf32, #tpu.memory_space<hbm>>
      tpu.enqueue_dma source(%arg7 : memref<512xf32, #tpu.memory_space<vmem>>) target(%dma_start3A_9 : memref<512xf32, #tpu.memory_space<hbm>>) target_semaphore(%run_scoped3A : memref<!tpu.dma_semaphore, #tpu.memory_space<semaphore_mem>>)
      %dma_wait3A = tpu.memref_slice %arg4[%mul3A_8] : memref<16384xf32, #tpu.memory_space<hbm>> -> memref<512xf32, #tpu.memory_space<hbm>>
      %dma_wait3A_10 = tpu.memref_slice %arg4[%mul3A_8] : memref<16384xf32, #tpu.memory_space<hbm>> -> memref<512xf32, #tpu.memory_space<hbm>>
      tpu.wait_dma2 semaphore(%run_scoped3A : memref<!tpu.dma_semaphore, #tpu.memory_space<semaphore_mem>>) src(%arg7 : memref<512xf32, #tpu.memory_space<vmem>>) dst(%dma_wait3A_10 : memref<512xf32, #tpu.memory_space<hbm>>)
      tpu.yield
    }) : () -> ()
    return
  }
}

#map = affine_map<(d0, d1) -> (0)>
#map1 = affine_map<(d0, d1) -> (0, 0)>
module attributes {stable_mosaic.version = 14 : i64} {
  func.func @_sc_emb_body(%arg0: i32, %arg1: i32, %arg2: memref<425984xi32, #tpu.memory_space<hbm>>, %arg3: memref<2600000x16xf32, #tpu.memory_space<hbm>>, %arg4: memref<16384x16xf32, #tpu.memory_space<hbm>>, %arg5: memref<13312xi32, #tpu.memory_space<vmem>>, %arg6: memref<104x16xf32, #tpu.memory_space<vmem>>, %arg7: memref<512x16xf32, #tpu.memory_space<vmem>>, %arg8: memref<!tpu.dma_semaphore, #tpu.memory_space<semaphore_mem>>) attributes {dimension_semantics = [#tpu.dimension_semantics<core_parallel>, #tpu.dimension_semantics<subcore_parallel>], iteration_bounds = array<i64: 2, 16>, scalar_prefetch = 0 : i64, scratch_operands = 4 : i64, tpu.core_type = #tpu.core_type<sc_vector_subcore>, window_params = [{transform_indices = #map}, {transform_indices = #map1}, {transform_indices = #map1}]} {
    %mul3A = arith.constant 2 : i32
    %mul3A_0 = arith.muli %arg1, %mul3A : i32
    %add3A = arith.addi %mul3A_0, %arg0 : i32
    %mul3A_1 = arith.constant 13312 : i32
    %mul3A_2 = arith.muli %add3A, %mul3A_1 : i32
    "tpu.region"() ({
      %run_scoped3A = tpu.sem_alloc : memref<!tpu.dma_semaphore, #tpu.memory_space<semaphore_mem>>
      %dma_start3A = tpu.memref_slice %arg2[%mul3A_2] : memref<425984xi32, #tpu.memory_space<hbm>> -> memref<13312xi32, #tpu.memory_space<hbm>>
      %dma_start3A_9 = tpu.memref_slice %arg2[%mul3A_2] : memref<425984xi32, #tpu.memory_space<hbm>> -> memref<13312xi32, #tpu.memory_space<hbm>>
      tpu.enqueue_dma source(%dma_start3A_9 : memref<13312xi32, #tpu.memory_space<hbm>>) target(%arg5 : memref<13312xi32, #tpu.memory_space<vmem>>) target_semaphore(%run_scoped3A : memref<!tpu.dma_semaphore, #tpu.memory_space<semaphore_mem>>)
      %dma_wait3A = tpu.memref_slice %arg2[%mul3A_2] : memref<425984xi32, #tpu.memory_space<hbm>> -> memref<13312xi32, #tpu.memory_space<hbm>>
      %dma_wait3A_10 = tpu.memref_slice %arg2[%mul3A_2] : memref<425984xi32, #tpu.memory_space<hbm>> -> memref<13312xi32, #tpu.memory_space<hbm>>
      tpu.wait_dma2 semaphore(%run_scoped3A : memref<!tpu.dma_semaphore, #tpu.memory_space<semaphore_mem>>) src(%dma_wait3A_10 : memref<13312xi32, #tpu.memory_space<hbm>>) dst(%arg5 : memref<13312xi32, #tpu.memory_space<vmem>>)
      tpu.yield
    }) : () -> ()
    %scan3A = arith.constant 0 : i32
    %scan3A_3 = arith.constant 128 : i32
    %scan3A_4 = arith.addi %scan3A, %scan3A_3 : i32
    %scan3A_5 = arith.constant 1 : i32
    scf.for %scan3A_9 = %scan3A to %scan3A_4 step %scan3A_5  : i32 {
      %mul3A_10 = arith.constant 1 : i32
      %mul3A_11 = arith.muli %scan3A_9, %mul3A_10 : i32
      %add3A_12 = arith.constant 0 : i32
      %add3A_13 = arith.addi %add3A_12, %mul3A_11 : i32
      %mul3A_14 = arith.constant 104 : i32
      %mul3A_15 = arith.muli %add3A_13, %mul3A_14 : i32
      %multiple_of3A = tpu.assume_multiple %mul3A_15, 8 : i32
      %dma_start3A = tpu.memref_slice %arg5[%multiple_of3A] : memref<13312xi32, #tpu.memory_space<vmem>> -> memref<104xi32, #tpu.memory_space<vmem>>
      %dma_start3A_16 = arith.constant 0 : i32
      %dma_start3A_17 = arith.constant 0 : i32
      %dma_start3A_18 = tpu.memref_slice %arg3[%dma_start3A_16, %dma_start3A_17] : memref<2600000x16xf32, #tpu.memory_space<hbm>> -> memref<2600000x16xf32, #tpu.memory_space<hbm>>
      tpu.enqueue_indirect_dma source(%dma_start3A_18 : memref<2600000x16xf32, #tpu.memory_space<hbm>>) target(%arg6 : memref<104x16xf32, #tpu.memory_space<vmem>>) offsets(%dma_start3A : memref<104xi32, #tpu.memory_space<vmem>>) semaphore(%arg8 : memref<!tpu.dma_semaphore, #tpu.memory_space<semaphore_mem>>)
      %dma_wait3A = tpu.memref_slice %arg5[%multiple_of3A] : memref<13312xi32, #tpu.memory_space<vmem>> -> memref<104xi32, #tpu.memory_space<vmem>>
      %dma_wait3A_19 = arith.constant 0 : i32
      %dma_wait3A_20 = arith.constant 0 : i32
      %dma_wait3A_21 = tpu.memref_slice %arg3[%dma_wait3A_19, %dma_wait3A_20] : memref<2600000x16xf32, #tpu.memory_space<hbm>> -> memref<2600000x16xf32, #tpu.memory_space<hbm>>
      tpu.wait_indirect_dma semaphore(%arg8 : memref<!tpu.dma_semaphore, #tpu.memory_space<semaphore_mem>>) src(%dma_wait3A_21 : memref<2600000x16xf32, #tpu.memory_space<hbm>>) dst(%arg6 : memref<104x16xf32, #tpu.memory_space<vmem>>)
      %broadcast_in_dim3A = arith.constant 0.000000e+00 : f32
      %broadcast_in_dim3A_22 = vector.broadcast %broadcast_in_dim3A : f32 to vector<16xf32>
      %broadcast_in_dim3A_23 = arith.constant 0.000000e+00 : f32
      %broadcast_in_dim3A_24 = vector.broadcast %broadcast_in_dim3A_23 : f32 to vector<16xf32>
      %get3A = arith.constant 0 : i32
      %get3A_25 = arith.index_cast %get3A : i32 to index
      %get3A_26 = arith.constant 0 : index
      %get3A_27 = tpu.vector_load %arg6[%get3A_25, %get3A_26] {strides = array<i32>} : memref<104x16xf32, #tpu.memory_space<vmem>>, vector<16xf32>,
      %add3A_28 = arith.addf %broadcast_in_dim3A_22, %get3A_27 : vector<16xf32>
      %mul3A_29 = arith.mulf %get3A_27, %get3A_27 : vector<16xf32>
      %add3A_30 = arith.addf %broadcast_in_dim3A_24, %mul3A_29 : vector<16xf32>
      %get3A_31 = arith.constant 1 : i32
      %get3A_32 = arith.index_cast %get3A_31 : i32 to index
      %get3A_33 = arith.constant 0 : index
      %get3A_34 = tpu.vector_load %arg6[%get3A_32, %get3A_33] {strides = array<i32>} : memref<104x16xf32, #tpu.memory_space<vmem>>, vector<16xf32>,
      %add3A_35 = arith.addf %add3A_28, %get3A_34 : vector<16xf32>
      %mul3A_36 = arith.mulf %get3A_34, %get3A_34 : vector<16xf32>
      %add3A_37 = arith.addf %add3A_30, %mul3A_36 : vector<16xf32>
      %get3A_38 = arith.constant 2 : i32
      %get3A_39 = arith.index_cast %get3A_38 : i32 to index
      %get3A_40 = arith.constant 0 : index
      %get3A_41 = tpu.vector_load %arg6[%get3A_39, %get3A_40] {strides = array<i32>} : memref<104x16xf32, #tpu.memory_space<vmem>>, vector<16xf32>,
      %add3A_42 = arith.addf %add3A_35, %get3A_41 : vector<16xf32>
      %mul3A_43 = arith.mulf %get3A_41, %get3A_41 : vector<16xf32>
      %add3A_44 = arith.addf %add3A_37, %mul3A_43 : vector<16xf32>
      %get3A_45 = arith.constant 3 : i32
      %get3A_46 = arith.index_cast %get3A_45 : i32 to index
      %get3A_47 = arith.constant 0 : index
      %get3A_48 = tpu.vector_load %arg6[%get3A_46, %get3A_47] {strides = array<i32>} : memref<104x16xf32, #tpu.memory_space<vmem>>, vector<16xf32>,
      %add3A_49 = arith.addf %add3A_42, %get3A_48 : vector<16xf32>
      %mul3A_50 = arith.mulf %get3A_48, %get3A_48 : vector<16xf32>
      %add3A_51 = arith.addf %add3A_44, %mul3A_50 : vector<16xf32>
      %get3A_52 = arith.constant 4 : i32
      %get3A_53 = arith.index_cast %get3A_52 : i32 to index
      %get3A_54 = arith.constant 0 : index
      %get3A_55 = tpu.vector_load %arg6[%get3A_53, %get3A_54] {strides = array<i32>} : memref<104x16xf32, #tpu.memory_space<vmem>>, vector<16xf32>,
      %add3A_56 = arith.addf %add3A_49, %get3A_55 : vector<16xf32>
      %mul3A_57 = arith.mulf %get3A_55, %get3A_55 : vector<16xf32>
      %add3A_58 = arith.addf %add3A_51, %mul3A_57 : vector<16xf32>
      %get3A_59 = arith.constant 5 : i32
      %get3A_60 = arith.index_cast %get3A_59 : i32 to index
      %get3A_61 = arith.constant 0 : index
      %get3A_62 = tpu.vector_load %arg6[%get3A_60, %get3A_61] {strides = array<i32>} : memref<104x16xf32, #tpu.memory_space<vmem>>, vector<16xf32>,
      %add3A_63 = arith.addf %add3A_56, %get3A_62 : vector<16xf32>
      %mul3A_64 = arith.mulf %get3A_62, %get3A_62 : vector<16xf32>
      %add3A_65 = arith.addf %add3A_58, %mul3A_64 : vector<16xf32>
      %get3A_66 = arith.constant 6 : i32
      %get3A_67 = arith.index_cast %get3A_66 : i32 to index
      %get3A_68 = arith.constant 0 : index
      %get3A_69 = tpu.vector_load %arg6[%get3A_67, %get3A_68] {strides = array<i32>} : memref<104x16xf32, #tpu.memory_space<vmem>>, vector<16xf32>,
      %add3A_70 = arith.addf %add3A_63, %get3A_69 : vector<16xf32>
      %mul3A_71 = arith.mulf %get3A_69, %get3A_69 : vector<16xf32>
      %add3A_72 = arith.addf %add3A_65, %mul3A_71 : vector<16xf32>
      %get3A_73 = arith.constant 7 : i32
      %get3A_74 = arith.index_cast %get3A_73 : i32 to index
      %get3A_75 = arith.constant 0 : index
      %get3A_76 = tpu.vector_load %arg6[%get3A_74, %get3A_75] {strides = array<i32>} : memref<104x16xf32, #tpu.memory_space<vmem>>, vector<16xf32>,
      %add3A_77 = arith.addf %add3A_70, %get3A_76 : vector<16xf32>
      %mul3A_78 = arith.mulf %get3A_76, %get3A_76 : vector<16xf32>
      %add3A_79 = arith.addf %add3A_72, %mul3A_78 : vector<16xf32>
      %get3A_80 = arith.constant 8 : i32
      %get3A_81 = arith.index_cast %get3A_80 : i32 to index
      %get3A_82 = arith.constant 0 : index
      %get3A_83 = tpu.vector_load %arg6[%get3A_81, %get3A_82] {strides = array<i32>} : memref<104x16xf32, #tpu.memory_space<vmem>>, vector<16xf32>,
      %add3A_84 = arith.addf %add3A_77, %get3A_83 : vector<16xf32>
      %mul3A_85 = arith.mulf %get3A_83, %get3A_83 : vector<16xf32>
      %add3A_86 = arith.addf %add3A_79, %mul3A_85 : vector<16xf32>
      %get3A_87 = arith.constant 9 : i32
      %get3A_88 = arith.index_cast %get3A_87 : i32 to index
      %get3A_89 = arith.constant 0 : index
      %get3A_90 = tpu.vector_load %arg6[%get3A_88, %get3A_89] {strides = array<i32>} : memref<104x16xf32, #tpu.memory_space<vmem>>, vector<16xf32>,
      %add3A_91 = arith.addf %add3A_84, %get3A_90 : vector<16xf32>
      %mul3A_92 = arith.mulf %get3A_90, %get3A_90 : vector<16xf32>
      %add3A_93 = arith.addf %add3A_86, %mul3A_92 : vector<16xf32>
      %get3A_94 = arith.constant 10 : i32
      %get3A_95 = arith.index_cast %get3A_94 : i32 to index
      %get3A_96 = arith.constant 0 : index
      %get3A_97 = tpu.vector_load %arg6[%get3A_95, %get3A_96] {strides = array<i32>} : memref<104x16xf32, #tpu.memory_space<vmem>>, vector<16xf32>,
      %add3A_98 = arith.addf %add3A_91, %get3A_97 : vector<16xf32>
      %mul3A_99 = arith.mulf %get3A_97, %get3A_97 : vector<16xf32>
      %add3A_100 = arith.addf %add3A_93, %mul3A_99 : vector<16xf32>
      %get3A_101 = arith.constant 11 : i32
      %get3A_102 = arith.index_cast %get3A_101 : i32 to index
      %get3A_103 = arith.constant 0 : index
      %get3A_104 = tpu.vector_load %arg6[%get3A_102, %get3A_103] {strides = array<i32>} : memref<104x16xf32, #tpu.memory_space<vmem>>, vector<16xf32>,
      %add3A_105 = arith.addf %add3A_98, %get3A_104 : vector<16xf32>
      %mul3A_106 = arith.mulf %get3A_104, %get3A_104 : vector<16xf32>
      %add3A_107 = arith.addf %add3A_100, %mul3A_106 : vector<16xf32>
      %get3A_108 = arith.constant 12 : i32
      %get3A_109 = arith.index_cast %get3A_108 : i32 to index
      %get3A_110 = arith.constant 0 : index
      %get3A_111 = tpu.vector_load %arg6[%get3A_109, %get3A_110] {strides = array<i32>} : memref<104x16xf32, #tpu.memory_space<vmem>>, vector<16xf32>,
      %add3A_112 = arith.addf %add3A_105, %get3A_111 : vector<16xf32>
      %mul3A_113 = arith.mulf %get3A_111, %get3A_111 : vector<16xf32>
      %add3A_114 = arith.addf %add3A_107, %mul3A_113 : vector<16xf32>
      %get3A_115 = arith.constant 13 : i32
      %get3A_116 = arith.index_cast %get3A_115 : i32 to index
      %get3A_117 = arith.constant 0 : index
      %get3A_118 = tpu.vector_load %arg6[%get3A_116, %get3A_117] {strides = array<i32>} : memref<104x16xf32, #tpu.memory_space<vmem>>, vector<16xf32>,
      %add3A_119 = arith.addf %add3A_112, %get3A_118 : vector<16xf32>
      %mul3A_120 = arith.mulf %get3A_118, %get3A_118 : vector<16xf32>
      %add3A_121 = arith.addf %add3A_114, %mul3A_120 : vector<16xf32>
      %get3A_122 = arith.constant 14 : i32
      %get3A_123 = arith.index_cast %get3A_122 : i32 to index
      %get3A_124 = arith.constant 0 : index
      %get3A_125 = tpu.vector_load %arg6[%get3A_123, %get3A_124] {strides = array<i32>} : memref<104x16xf32, #tpu.memory_space<vmem>>, vector<16xf32>,
      %add3A_126 = arith.addf %add3A_119, %get3A_125 : vector<16xf32>
      %mul3A_127 = arith.mulf %get3A_125, %get3A_125 : vector<16xf32>
      %add3A_128 = arith.addf %add3A_121, %mul3A_127 : vector<16xf32>
      %get3A_129 = arith.constant 15 : i32
      %get3A_130 = arith.index_cast %get3A_129 : i32 to index
      %get3A_131 = arith.constant 0 : index
      %get3A_132 = tpu.vector_load %arg6[%get3A_130, %get3A_131] {strides = array<i32>} : memref<104x16xf32, #tpu.memory_space<vmem>>, vector<16xf32>,
      %add3A_133 = arith.addf %add3A_126, %get3A_132 : vector<16xf32>
      %mul3A_134 = arith.mulf %get3A_132, %get3A_132 : vector<16xf32>
      %add3A_135 = arith.addf %add3A_128, %mul3A_134 : vector<16xf32>
      %get3A_136 = arith.constant 16 : i32
      %get3A_137 = arith.index_cast %get3A_136 : i32 to index
      %get3A_138 = arith.constant 0 : index
      %get3A_139 = tpu.vector_load %arg6[%get3A_137, %get3A_138] {strides = array<i32>} : memref<104x16xf32, #tpu.memory_space<vmem>>, vector<16xf32>,
      %add3A_140 = arith.addf %add3A_133, %get3A_139 : vector<16xf32>
      %mul3A_141 = arith.mulf %get3A_139, %get3A_139 : vector<16xf32>
      %add3A_142 = arith.addf %add3A_135, %mul3A_141 : vector<16xf32>
      %get3A_143 = arith.constant 17 : i32
      %get3A_144 = arith.index_cast %get3A_143 : i32 to index
      %get3A_145 = arith.constant 0 : index
      %get3A_146 = tpu.vector_load %arg6[%get3A_144, %get3A_145] {strides = array<i32>} : memref<104x16xf32, #tpu.memory_space<vmem>>, vector<16xf32>,
      %add3A_147 = arith.addf %add3A_140, %get3A_146 : vector<16xf32>
      %mul3A_148 = arith.mulf %get3A_146, %get3A_146 : vector<16xf32>
      %add3A_149 = arith.addf %add3A_142, %mul3A_148 : vector<16xf32>
      %get3A_150 = arith.constant 18 : i32
      %get3A_151 = arith.index_cast %get3A_150 : i32 to index
      %get3A_152 = arith.constant 0 : index
      %get3A_153 = tpu.vector_load %arg6[%get3A_151, %get3A_152] {strides = array<i32>} : memref<104x16xf32, #tpu.memory_space<vmem>>, vector<16xf32>,
      %add3A_154 = arith.addf %add3A_147, %get3A_153 : vector<16xf32>
      %mul3A_155 = arith.mulf %get3A_153, %get3A_153 : vector<16xf32>
      %add3A_156 = arith.addf %add3A_149, %mul3A_155 : vector<16xf32>
      %get3A_157 = arith.constant 19 : i32
      %get3A_158 = arith.index_cast %get3A_157 : i32 to index
      %get3A_159 = arith.constant 0 : index
      %get3A_160 = tpu.vector_load %arg6[%get3A_158, %get3A_159] {strides = array<i32>} : memref<104x16xf32, #tpu.memory_space<vmem>>, vector<16xf32>,
      %add3A_161 = arith.addf %add3A_154, %get3A_160 : vector<16xf32>
      %mul3A_162 = arith.mulf %get3A_160, %get3A_160 : vector<16xf32>
      %add3A_163 = arith.addf %add3A_156, %mul3A_162 : vector<16xf32>
      %get3A_164 = arith.constant 20 : i32
      %get3A_165 = arith.index_cast %get3A_164 : i32 to index
      %get3A_166 = arith.constant 0 : index
      %get3A_167 = tpu.vector_load %arg6[%get3A_165, %get3A_166] {strides = array<i32>} : memref<104x16xf32, #tpu.memory_space<vmem>>, vector<16xf32>,
      %add3A_168 = arith.addf %add3A_161, %get3A_167 : vector<16xf32>
      %mul3A_169 = arith.mulf %get3A_167, %get3A_167 : vector<16xf32>
      %add3A_170 = arith.addf %add3A_163, %mul3A_169 : vector<16xf32>
      %get3A_171 = arith.constant 21 : i32
      %get3A_172 = arith.index_cast %get3A_171 : i32 to index
      %get3A_173 = arith.constant 0 : index
      %get3A_174 = tpu.vector_load %arg6[%get3A_172, %get3A_173] {strides = array<i32>} : memref<104x16xf32, #tpu.memory_space<vmem>>, vector<16xf32>,
      %add3A_175 = arith.addf %add3A_168, %get3A_174 : vector<16xf32>
      %mul3A_176 = arith.mulf %get3A_174, %get3A_174 : vector<16xf32>
      %add3A_177 = arith.addf %add3A_170, %mul3A_176 : vector<16xf32>
      %get3A_178 = arith.constant 22 : i32
      %get3A_179 = arith.index_cast %get3A_178 : i32 to index
      %get3A_180 = arith.constant 0 : index
      %get3A_181 = tpu.vector_load %arg6[%get3A_179, %get3A_180] {strides = array<i32>} : memref<104x16xf32, #tpu.memory_space<vmem>>, vector<16xf32>,
      %add3A_182 = arith.addf %add3A_175, %get3A_181 : vector<16xf32>
      %mul3A_183 = arith.mulf %get3A_181, %get3A_181 : vector<16xf32>
      %add3A_184 = arith.addf %add3A_177, %mul3A_183 : vector<16xf32>
      %get3A_185 = arith.constant 23 : i32
      %get3A_186 = arith.index_cast %get3A_185 : i32 to index
      %get3A_187 = arith.constant 0 : index
      %get3A_188 = tpu.vector_load %arg6[%get3A_186, %get3A_187] {strides = array<i32>} : memref<104x16xf32, #tpu.memory_space<vmem>>, vector<16xf32>,
      %add3A_189 = arith.addf %add3A_182, %get3A_188 : vector<16xf32>
      %mul3A_190 = arith.mulf %get3A_188, %get3A_188 : vector<16xf32>
      %add3A_191 = arith.addf %add3A_184, %mul3A_190 : vector<16xf32>
      %get3A_192 = arith.constant 24 : i32
      %get3A_193 = arith.index_cast %get3A_192 : i32 to index
      %get3A_194 = arith.constant 0 : index
      %get3A_195 = tpu.vector_load %arg6[%get3A_193, %get3A_194] {strides = array<i32>} : memref<104x16xf32, #tpu.memory_space<vmem>>, vector<16xf32>,
      %add3A_196 = arith.addf %add3A_189, %get3A_195 : vector<16xf32>
      %mul3A_197 = arith.mulf %get3A_195, %get3A_195 : vector<16xf32>
      %add3A_198 = arith.addf %add3A_191, %mul3A_197 : vector<16xf32>
      %get3A_199 = arith.constant 25 : i32
      %get3A_200 = arith.index_cast %get3A_199 : i32 to index
      %get3A_201 = arith.constant 0 : index
      %get3A_202 = tpu.vector_load %arg6[%get3A_200, %get3A_201] {strides = array<i32>} : memref<104x16xf32, #tpu.memory_space<vmem>>, vector<16xf32>,
      %add3A_203 = arith.addf %add3A_196, %get3A_202 : vector<16xf32>
      %mul3A_204 = arith.mulf %get3A_202, %get3A_202 : vector<16xf32>
      %add3A_205 = arith.addf %add3A_198, %mul3A_204 : vector<16xf32>
      %mul3A_206 = arith.mulf %add3A_203, %add3A_203 : vector<16xf32>
      %sub3A = arith.subf %mul3A_206, %add3A_205 : vector<16xf32>
      %mul3A_207 = arith.constant 5.000000e-01 : f32
      %mul3A_208 = vector.broadcast %mul3A_207 : f32 to vector<16xf32>
      %mul3A_209 = arith.mulf %mul3A_208, %sub3A : vector<16xf32>
      %mul3A_210 = arith.constant 4 : i32
      %mul3A_211 = arith.muli %add3A_13, %mul3A_210 : i32
      %add3A_212 = arith.constant 0 : i32
      %add3A_213 = arith.addi %mul3A_211, %add3A_212 : i32
      %swap3A = arith.index_cast %add3A_213 : i32 to index
      %swap3A_214 = arith.constant 0 : index
      %swap3A_215 = tpu.vector_load %arg7[%swap3A, %swap3A_214] {strides = array<i32>} : memref<512x16xf32, #tpu.memory_space<vmem>>, vector<16xf32>,
      tpu.vector_store %arg7[%swap3A, %swap3A_214], %mul3A_209 {strides = array<i32>} : memref<512x16xf32, #tpu.memory_space<vmem>>, vector<16xf32>,
      %broadcast_in_dim3A_216 = arith.constant 0.000000e+00 : f32
      %broadcast_in_dim3A_217 = vector.broadcast %broadcast_in_dim3A_216 : f32 to vector<16xf32>
      %broadcast_in_dim3A_218 = arith.constant 0.000000e+00 : f32
      %broadcast_in_dim3A_219 = vector.broadcast %broadcast_in_dim3A_218 : f32 to vector<16xf32>
      %get3A_220 = arith.constant 26 : i32
      %get3A_221 = arith.index_cast %get3A_220 : i32 to index
      %get3A_222 = arith.constant 0 : index
      %get3A_223 = tpu.vector_load %arg6[%get3A_221, %get3A_222] {strides = array<i32>} : memref<104x16xf32, #tpu.memory_space<vmem>>, vector<16xf32>,
      %add3A_224 = arith.addf %broadcast_in_dim3A_217, %get3A_223 : vector<16xf32>
      %mul3A_225 = arith.mulf %get3A_223, %get3A_223 : vector<16xf32>
      %add3A_226 = arith.addf %broadcast_in_dim3A_219, %mul3A_225 : vector<16xf32>
      %get3A_227 = arith.constant 27 : i32
      %get3A_228 = arith.index_cast %get3A_227 : i32 to index
      %get3A_229 = arith.constant 0 : index
      %get3A_230 = tpu.vector_load %arg6[%get3A_228, %get3A_229] {strides = array<i32>} : memref<104x16xf32, #tpu.memory_space<vmem>>, vector<16xf32>,
      %add3A_231 = arith.addf %add3A_224, %get3A_230 : vector<16xf32>
      %mul3A_232 = arith.mulf %get3A_230, %get3A_230 : vector<16xf32>
      %add3A_233 = arith.addf %add3A_226, %mul3A_232 : vector<16xf32>
      %get3A_234 = arith.constant 28 : i32
      %get3A_235 = arith.index_cast %get3A_234 : i32 to index
      %get3A_236 = arith.constant 0 : index
      %get3A_237 = tpu.vector_load %arg6[%get3A_235, %get3A_236] {strides = array<i32>} : memref<104x16xf32, #tpu.memory_space<vmem>>, vector<16xf32>,
      %add3A_238 = arith.addf %add3A_231, %get3A_237 : vector<16xf32>
      %mul3A_239 = arith.mulf %get3A_237, %get3A_237 : vector<16xf32>
      %add3A_240 = arith.addf %add3A_233, %mul3A_239 : vector<16xf32>
      %get3A_241 = arith.constant 29 : i32
      %get3A_242 = arith.index_cast %get3A_241 : i32 to index
      %get3A_243 = arith.constant 0 : index
      %get3A_244 = tpu.vector_load %arg6[%get3A_242, %get3A_243] {strides = array<i32>} : memref<104x16xf32, #tpu.memory_space<vmem>>, vector<16xf32>,
      %add3A_245 = arith.addf %add3A_238, %get3A_244 : vector<16xf32>
      %mul3A_246 = arith.mulf %get3A_244, %get3A_244 : vector<16xf32>
      %add3A_247 = arith.addf %add3A_240, %mul3A_246 : vector<16xf32>
      %get3A_248 = arith.constant 30 : i32
      %get3A_249 = arith.index_cast %get3A_248 : i32 to index
      %get3A_250 = arith.constant 0 : index
      %get3A_251 = tpu.vector_load %arg6[%get3A_249, %get3A_250] {strides = array<i32>} : memref<104x16xf32, #tpu.memory_space<vmem>>, vector<16xf32>,
      %add3A_252 = arith.addf %add3A_245, %get3A_251 : vector<16xf32>
      %mul3A_253 = arith.mulf %get3A_251, %get3A_251 : vector<16xf32>
      %add3A_254 = arith.addf %add3A_247, %mul3A_253 : vector<16xf32>
      %get3A_255 = arith.constant 31 : i32
      %get3A_256 = arith.index_cast %get3A_255 : i32 to index
      %get3A_257 = arith.constant 0 : index
      %get3A_258 = tpu.vector_load %arg6[%get3A_256, %get3A_257] {strides = array<i32>} : memref<104x16xf32, #tpu.memory_space<vmem>>, vector<16xf32>,
      %add3A_259 = arith.addf %add3A_252, %get3A_258 : vector<16xf32>
      %mul3A_260 = arith.mulf %get3A_258, %get3A_258 : vector<16xf32>
      %add3A_261 = arith.addf %add3A_254, %mul3A_260 : vector<16xf32>
      %get3A_262 = arith.constant 32 : i32
      %get3A_263 = arith.index_cast %get3A_262 : i32 to index
      %get3A_264 = arith.constant 0 : index
      %get3A_265 = tpu.vector_load %arg6[%get3A_263, %get3A_264] {strides = array<i32>} : memref<104x16xf32, #tpu.memory_space<vmem>>, vector<16xf32>,
      %add3A_266 = arith.addf %add3A_259, %get3A_265 : vector<16xf32>
      %mul3A_267 = arith.mulf %get3A_265, %get3A_265 : vector<16xf32>
      %add3A_268 = arith.addf %add3A_261, %mul3A_267 : vector<16xf32>
      %get3A_269 = arith.constant 33 : i32
      %get3A_270 = arith.index_cast %get3A_269 : i32 to index
      %get3A_271 = arith.constant 0 : index
      %get3A_272 = tpu.vector_load %arg6[%get3A_270, %get3A_271] {strides = array<i32>} : memref<104x16xf32, #tpu.memory_space<vmem>>, vector<16xf32>,
      %add3A_273 = arith.addf %add3A_266, %get3A_272 : vector<16xf32>
      %mul3A_274 = arith.mulf %get3A_272, %get3A_272 : vector<16xf32>
      %add3A_275 = arith.addf %add3A_268, %mul3A_274 : vector<16xf32>
      %get3A_276 = arith.constant 34 : i32
      %get3A_277 = arith.index_cast %get3A_276 : i32 to index
      %get3A_278 = arith.constant 0 : index
      %get3A_279 = tpu.vector_load %arg6[%get3A_277, %get3A_278] {strides = array<i32>} : memref<104x16xf32, #tpu.memory_space<vmem>>, vector<16xf32>,
      %add3A_280 = arith.addf %add3A_273, %get3A_279 : vector<16xf32>
      %mul3A_281 = arith.mulf %get3A_279, %get3A_279 : vector<16xf32>
      %add3A_282 = arith.addf %add3A_275, %mul3A_281 : vector<16xf32>
      %get3A_283 = arith.constant 35 : i32
      %get3A_284 = arith.index_cast %get3A_283 : i32 to index
      %get3A_285 = arith.constant 0 : index
      %get3A_286 = tpu.vector_load %arg6[%get3A_284, %get3A_285] {strides = array<i32>} : memref<104x16xf32, #tpu.memory_space<vmem>>, vector<16xf32>,
      %add3A_287 = arith.addf %add3A_280, %get3A_286 : vector<16xf32>
      %mul3A_288 = arith.mulf %get3A_286, %get3A_286 : vector<16xf32>
      %add3A_289 = arith.addf %add3A_282, %mul3A_288 : vector<16xf32>
      %get3A_290 = arith.constant 36 : i32
      %get3A_291 = arith.index_cast %get3A_290 : i32 to index
      %get3A_292 = arith.constant 0 : index
      %get3A_293 = tpu.vector_load %arg6[%get3A_291, %get3A_292] {strides = array<i32>} : memref<104x16xf32, #tpu.memory_space<vmem>>, vector<16xf32>,
      %add3A_294 = arith.addf %add3A_287, %get3A_293 : vector<16xf32>
      %mul3A_295 = arith.mulf %get3A_293, %get3A_293 : vector<16xf32>
      %add3A_296 = arith.addf %add3A_289, %mul3A_295 : vector<16xf32>
      %get3A_297 = arith.constant 37 : i32
      %get3A_298 = arith.index_cast %get3A_297 : i32 to index
      %get3A_299 = arith.constant 0 : index
      %get3A_300 = tpu.vector_load %arg6[%get3A_298, %get3A_299] {strides = array<i32>} : memref<104x16xf32, #tpu.memory_space<vmem>>, vector<16xf32>,
      %add3A_301 = arith.addf %add3A_294, %get3A_300 : vector<16xf32>
      %mul3A_302 = arith.mulf %get3A_300, %get3A_300 : vector<16xf32>
      %add3A_303 = arith.addf %add3A_296, %mul3A_302 : vector<16xf32>
      %get3A_304 = arith.constant 38 : i32
      %get3A_305 = arith.index_cast %get3A_304 : i32 to index
      %get3A_306 = arith.constant 0 : index
      %get3A_307 = tpu.vector_load %arg6[%get3A_305, %get3A_306] {strides = array<i32>} : memref<104x16xf32, #tpu.memory_space<vmem>>, vector<16xf32>,
      %add3A_308 = arith.addf %add3A_301, %get3A_307 : vector<16xf32>
      %mul3A_309 = arith.mulf %get3A_307, %get3A_307 : vector<16xf32>
      %add3A_310 = arith.addf %add3A_303, %mul3A_309 : vector<16xf32>
      %get3A_311 = arith.constant 39 : i32
      %get3A_312 = arith.index_cast %get3A_311 : i32 to index
      %get3A_313 = arith.constant 0 : index
      %get3A_314 = tpu.vector_load %arg6[%get3A_312, %get3A_313] {strides = array<i32>} : memref<104x16xf32, #tpu.memory_space<vmem>>, vector<16xf32>,
      %add3A_315 = arith.addf %add3A_308, %get3A_314 : vector<16xf32>
      %mul3A_316 = arith.mulf %get3A_314, %get3A_314 : vector<16xf32>
      %add3A_317 = arith.addf %add3A_310, %mul3A_316 : vector<16xf32>
      %get3A_318 = arith.constant 40 : i32
      %get3A_319 = arith.index_cast %get3A_318 : i32 to index
      %get3A_320 = arith.constant 0 : index
      %get3A_321 = tpu.vector_load %arg6[%get3A_319, %get3A_320] {strides = array<i32>} : memref<104x16xf32, #tpu.memory_space<vmem>>, vector<16xf32>,
      %add3A_322 = arith.addf %add3A_315, %get3A_321 : vector<16xf32>
      %mul3A_323 = arith.mulf %get3A_321, %get3A_321 : vector<16xf32>
      %add3A_324 = arith.addf %add3A_317, %mul3A_323 : vector<16xf32>
      %get3A_325 = arith.constant 41 : i32
      %get3A_326 = arith.index_cast %get3A_325 : i32 to index
      %get3A_327 = arith.constant 0 : index
      %get3A_328 = tpu.vector_load %arg6[%get3A_326, %get3A_327] {strides = array<i32>} : memref<104x16xf32, #tpu.memory_space<vmem>>, vector<16xf32>,
      %add3A_329 = arith.addf %add3A_322, %get3A_328 : vector<16xf32>
      %mul3A_330 = arith.mulf %get3A_328, %get3A_328 : vector<16xf32>
      %add3A_331 = arith.addf %add3A_324, %mul3A_330 : vector<16xf32>
      %get3A_332 = arith.constant 42 : i32
      %get3A_333 = arith.index_cast %get3A_332 : i32 to index
      %get3A_334 = arith.constant 0 : index
      %get3A_335 = tpu.vector_load %arg6[%get3A_333, %get3A_334] {strides = array<i32>} : memref<104x16xf32, #tpu.memory_space<vmem>>, vector<16xf32>,
      %add3A_336 = arith.addf %add3A_329, %get3A_335 : vector<16xf32>
      %mul3A_337 = arith.mulf %get3A_335, %get3A_335 : vector<16xf32>
      %add3A_338 = arith.addf %add3A_331, %mul3A_337 : vector<16xf32>
      %get3A_339 = arith.constant 43 : i32
      %get3A_340 = arith.index_cast %get3A_339 : i32 to index
      %get3A_341 = arith.constant 0 : index
      %get3A_342 = tpu.vector_load %arg6[%get3A_340, %get3A_341] {strides = array<i32>} : memref<104x16xf32, #tpu.memory_space<vmem>>, vector<16xf32>,
      %add3A_343 = arith.addf %add3A_336, %get3A_342 : vector<16xf32>
      %mul3A_344 = arith.mulf %get3A_342, %get3A_342 : vector<16xf32>
      %add3A_345 = arith.addf %add3A_338, %mul3A_344 : vector<16xf32>
      %get3A_346 = arith.constant 44 : i32
      %get3A_347 = arith.index_cast %get3A_346 : i32 to index
      %get3A_348 = arith.constant 0 : index
      %get3A_349 = tpu.vector_load %arg6[%get3A_347, %get3A_348] {strides = array<i32>} : memref<104x16xf32, #tpu.memory_space<vmem>>, vector<16xf32>,
      %add3A_350 = arith.addf %add3A_343, %get3A_349 : vector<16xf32>
      %mul3A_351 = arith.mulf %get3A_349, %get3A_349 : vector<16xf32>
      %add3A_352 = arith.addf %add3A_345, %mul3A_351 : vector<16xf32>
      %get3A_353 = arith.constant 45 : i32
      %get3A_354 = arith.index_cast %get3A_353 : i32 to index
      %get3A_355 = arith.constant 0 : index
      %get3A_356 = tpu.vector_load %arg6[%get3A_354, %get3A_355] {strides = array<i32>} : memref<104x16xf32, #tpu.memory_space<vmem>>, vector<16xf32>,
      %add3A_357 = arith.addf %add3A_350, %get3A_356 : vector<16xf32>
      %mul3A_358 = arith.mulf %get3A_356, %get3A_356 : vector<16xf32>
      %add3A_359 = arith.addf %add3A_352, %mul3A_358 : vector<16xf32>
      %get3A_360 = arith.constant 46 : i32
      %get3A_361 = arith.index_cast %get3A_360 : i32 to index
      %get3A_362 = arith.constant 0 : index
      %get3A_363 = tpu.vector_load %arg6[%get3A_361, %get3A_362] {strides = array<i32>} : memref<104x16xf32, #tpu.memory_space<vmem>>, vector<16xf32>,
      %add3A_364 = arith.addf %add3A_357, %get3A_363 : vector<16xf32>
      %mul3A_365 = arith.mulf %get3A_363, %get3A_363 : vector<16xf32>
      %add3A_366 = arith.addf %add3A_359, %mul3A_365 : vector<16xf32>
      %get3A_367 = arith.constant 47 : i32
      %get3A_368 = arith.index_cast %get3A_367 : i32 to index
      %get3A_369 = arith.constant 0 : index
      %get3A_370 = tpu.vector_load %arg6[%get3A_368, %get3A_369] {strides = array<i32>} : memref<104x16xf32, #tpu.memory_space<vmem>>, vector<16xf32>,
      %add3A_371 = arith.addf %add3A_364, %get3A_370 : vector<16xf32>
      %mul3A_372 = arith.mulf %get3A_370, %get3A_370 : vector<16xf32>
      %add3A_373 = arith.addf %add3A_366, %mul3A_372 : vector<16xf32>
      %get3A_374 = arith.constant 48 : i32
      %get3A_375 = arith.index_cast %get3A_374 : i32 to index
      %get3A_376 = arith.constant 0 : index
      %get3A_377 = tpu.vector_load %arg6[%get3A_375, %get3A_376] {strides = array<i32>} : memref<104x16xf32, #tpu.memory_space<vmem>>, vector<16xf32>,
      %add3A_378 = arith.addf %add3A_371, %get3A_377 : vector<16xf32>
      %mul3A_379 = arith.mulf %get3A_377, %get3A_377 : vector<16xf32>
      %add3A_380 = arith.addf %add3A_373, %mul3A_379 : vector<16xf32>
      %get3A_381 = arith.constant 49 : i32
      %get3A_382 = arith.index_cast %get3A_381 : i32 to index
      %get3A_383 = arith.constant 0 : index
      %get3A_384 = tpu.vector_load %arg6[%get3A_382, %get3A_383] {strides = array<i32>} : memref<104x16xf32, #tpu.memory_space<vmem>>, vector<16xf32>,
      %add3A_385 = arith.addf %add3A_378, %get3A_384 : vector<16xf32>
      %mul3A_386 = arith.mulf %get3A_384, %get3A_384 : vector<16xf32>
      %add3A_387 = arith.addf %add3A_380, %mul3A_386 : vector<16xf32>
      %get3A_388 = arith.constant 50 : i32
      %get3A_389 = arith.index_cast %get3A_388 : i32 to index
      %get3A_390 = arith.constant 0 : index
      %get3A_391 = tpu.vector_load %arg6[%get3A_389, %get3A_390] {strides = array<i32>} : memref<104x16xf32, #tpu.memory_space<vmem>>, vector<16xf32>,
      %add3A_392 = arith.addf %add3A_385, %get3A_391 : vector<16xf32>
      %mul3A_393 = arith.mulf %get3A_391, %get3A_391 : vector<16xf32>
      %add3A_394 = arith.addf %add3A_387, %mul3A_393 : vector<16xf32>
      %get3A_395 = arith.constant 51 : i32
      %get3A_396 = arith.index_cast %get3A_395 : i32 to index
      %get3A_397 = arith.constant 0 : index
      %get3A_398 = tpu.vector_load %arg6[%get3A_396, %get3A_397] {strides = array<i32>} : memref<104x16xf32, #tpu.memory_space<vmem>>, vector<16xf32>,
      %add3A_399 = arith.addf %add3A_392, %get3A_398 : vector<16xf32>
      %mul3A_400 = arith.mulf %get3A_398, %get3A_398 : vector<16xf32>
      %add3A_401 = arith.addf %add3A_394, %mul3A_400 : vector<16xf32>
      %mul3A_402 = arith.mulf %add3A_399, %add3A_399 : vector<16xf32>
      %sub3A_403 = arith.subf %mul3A_402, %add3A_401 : vector<16xf32>
      %mul3A_404 = arith.constant 5.000000e-01 : f32
      %mul3A_405 = vector.broadcast %mul3A_404 : f32 to vector<16xf32>
      %mul3A_406 = arith.mulf %mul3A_405, %sub3A_403 : vector<16xf32>
      %mul3A_407 = arith.constant 4 : i32
      %mul3A_408 = arith.muli %add3A_13, %mul3A_407 : i32
      %add3A_409 = arith.constant 1 : i32
      %add3A_410 = arith.addi %mul3A_408, %add3A_409 : i32
      %swap3A_411 = arith.index_cast %add3A_410 : i32 to index
      %swap3A_412 = arith.constant 0 : index
      %swap3A_413 = tpu.vector_load %arg7[%swap3A_411, %swap3A_412] {strides = array<i32>} : memref<512x16xf32, #tpu.memory_space<vmem>>, vector<16xf32>,
      tpu.vector_store %arg7[%swap3A_411, %swap3A_412], %mul3A_406 {strides = array<i32>} : memref<512x16xf32, #tpu.memory_space<vmem>>, vector<16xf32>,
      %broadcast_in_dim3A_414 = arith.constant 0.000000e+00 : f32
      %broadcast_in_dim3A_415 = vector.broadcast %broadcast_in_dim3A_414 : f32 to vector<16xf32>
      %broadcast_in_dim3A_416 = arith.constant 0.000000e+00 : f32
      %broadcast_in_dim3A_417 = vector.broadcast %broadcast_in_dim3A_416 : f32 to vector<16xf32>
      %get3A_418 = arith.constant 52 : i32
      %get3A_419 = arith.index_cast %get3A_418 : i32 to index
      %get3A_420 = arith.constant 0 : index
      %get3A_421 = tpu.vector_load %arg6[%get3A_419, %get3A_420] {strides = array<i32>} : memref<104x16xf32, #tpu.memory_space<vmem>>, vector<16xf32>,
      %add3A_422 = arith.addf %broadcast_in_dim3A_415, %get3A_421 : vector<16xf32>
      %mul3A_423 = arith.mulf %get3A_421, %get3A_421 : vector<16xf32>
      %add3A_424 = arith.addf %broadcast_in_dim3A_417, %mul3A_423 : vector<16xf32>
      %get3A_425 = arith.constant 53 : i32
      %get3A_426 = arith.index_cast %get3A_425 : i32 to index
      %get3A_427 = arith.constant 0 : index
      %get3A_428 = tpu.vector_load %arg6[%get3A_426, %get3A_427] {strides = array<i32>} : memref<104x16xf32, #tpu.memory_space<vmem>>, vector<16xf32>,
      %add3A_429 = arith.addf %add3A_422, %get3A_428 : vector<16xf32>
      %mul3A_430 = arith.mulf %get3A_428, %get3A_428 : vector<16xf32>
      %add3A_431 = arith.addf %add3A_424, %mul3A_430 : vector<16xf32>
      %get3A_432 = arith.constant 54 : i32
      %get3A_433 = arith.index_cast %get3A_432 : i32 to index
      %get3A_434 = arith.constant 0 : index
      %get3A_435 = tpu.vector_load %arg6[%get3A_433, %get3A_434] {strides = array<i32>} : memref<104x16xf32, #tpu.memory_space<vmem>>, vector<16xf32>,
      %add3A_436 = arith.addf %add3A_429, %get3A_435 : vector<16xf32>
      %mul3A_437 = arith.mulf %get3A_435, %get3A_435 : vector<16xf32>
      %add3A_438 = arith.addf %add3A_431, %mul3A_437 : vector<16xf32>
      %get3A_439 = arith.constant 55 : i32
      %get3A_440 = arith.index_cast %get3A_439 : i32 to index
      %get3A_441 = arith.constant 0 : index
      %get3A_442 = tpu.vector_load %arg6[%get3A_440, %get3A_441] {strides = array<i32>} : memref<104x16xf32, #tpu.memory_space<vmem>>, vector<16xf32>,
      %add3A_443 = arith.addf %add3A_436, %get3A_442 : vector<16xf32>
      %mul3A_444 = arith.mulf %get3A_442, %get3A_442 : vector<16xf32>
      %add3A_445 = arith.addf %add3A_438, %mul3A_444 : vector<16xf32>
      %get3A_446 = arith.constant 56 : i32
      %get3A_447 = arith.index_cast %get3A_446 : i32 to index
      %get3A_448 = arith.constant 0 : index
      %get3A_449 = tpu.vector_load %arg6[%get3A_447, %get3A_448] {strides = array<i32>} : memref<104x16xf32, #tpu.memory_space<vmem>>, vector<16xf32>,
      %add3A_450 = arith.addf %add3A_443, %get3A_449 : vector<16xf32>
      %mul3A_451 = arith.mulf %get3A_449, %get3A_449 : vector<16xf32>
      %add3A_452 = arith.addf %add3A_445, %mul3A_451 : vector<16xf32>
      %get3A_453 = arith.constant 57 : i32
      %get3A_454 = arith.index_cast %get3A_453 : i32 to index
      %get3A_455 = arith.constant 0 : index
      %get3A_456 = tpu.vector_load %arg6[%get3A_454, %get3A_455] {strides = array<i32>} : memref<104x16xf32, #tpu.memory_space<vmem>>, vector<16xf32>,
      %add3A_457 = arith.addf %add3A_450, %get3A_456 : vector<16xf32>
      %mul3A_458 = arith.mulf %get3A_456, %get3A_456 : vector<16xf32>
      %add3A_459 = arith.addf %add3A_452, %mul3A_458 : vector<16xf32>
      %get3A_460 = arith.constant 58 : i32
      %get3A_461 = arith.index_cast %get3A_460 : i32 to index
      %get3A_462 = arith.constant 0 : index
      %get3A_463 = tpu.vector_load %arg6[%get3A_461, %get3A_462] {strides = array<i32>} : memref<104x16xf32, #tpu.memory_space<vmem>>, vector<16xf32>,
      %add3A_464 = arith.addf %add3A_457, %get3A_463 : vector<16xf32>
      %mul3A_465 = arith.mulf %get3A_463, %get3A_463 : vector<16xf32>
      %add3A_466 = arith.addf %add3A_459, %mul3A_465 : vector<16xf32>
      %get3A_467 = arith.constant 59 : i32
      %get3A_468 = arith.index_cast %get3A_467 : i32 to index
      %get3A_469 = arith.constant 0 : index
      %get3A_470 = tpu.vector_load %arg6[%get3A_468, %get3A_469] {strides = array<i32>} : memref<104x16xf32, #tpu.memory_space<vmem>>, vector<16xf32>,
      %add3A_471 = arith.addf %add3A_464, %get3A_470 : vector<16xf32>
      %mul3A_472 = arith.mulf %get3A_470, %get3A_470 : vector<16xf32>
      %add3A_473 = arith.addf %add3A_466, %mul3A_472 : vector<16xf32>
      %get3A_474 = arith.constant 60 : i32
      %get3A_475 = arith.index_cast %get3A_474 : i32 to index
      %get3A_476 = arith.constant 0 : index
      %get3A_477 = tpu.vector_load %arg6[%get3A_475, %get3A_476] {strides = array<i32>} : memref<104x16xf32, #tpu.memory_space<vmem>>, vector<16xf32>,
      %add3A_478 = arith.addf %add3A_471, %get3A_477 : vector<16xf32>
      %mul3A_479 = arith.mulf %get3A_477, %get3A_477 : vector<16xf32>
      %add3A_480 = arith.addf %add3A_473, %mul3A_479 : vector<16xf32>
      %get3A_481 = arith.constant 61 : i32
      %get3A_482 = arith.index_cast %get3A_481 : i32 to index
      %get3A_483 = arith.constant 0 : index
      %get3A_484 = tpu.vector_load %arg6[%get3A_482, %get3A_483] {strides = array<i32>} : memref<104x16xf32, #tpu.memory_space<vmem>>, vector<16xf32>,
      %add3A_485 = arith.addf %add3A_478, %get3A_484 : vector<16xf32>
      %mul3A_486 = arith.mulf %get3A_484, %get3A_484 : vector<16xf32>
      %add3A_487 = arith.addf %add3A_480, %mul3A_486 : vector<16xf32>
      %get3A_488 = arith.constant 62 : i32
      %get3A_489 = arith.index_cast %get3A_488 : i32 to index
      %get3A_490 = arith.constant 0 : index
      %get3A_491 = tpu.vector_load %arg6[%get3A_489, %get3A_490] {strides = array<i32>} : memref<104x16xf32, #tpu.memory_space<vmem>>, vector<16xf32>,
      %add3A_492 = arith.addf %add3A_485, %get3A_491 : vector<16xf32>
      %mul3A_493 = arith.mulf %get3A_491, %get3A_491 : vector<16xf32>
      %add3A_494 = arith.addf %add3A_487, %mul3A_493 : vector<16xf32>
      %get3A_495 = arith.constant 63 : i32
      %get3A_496 = arith.index_cast %get3A_495 : i32 to index
      %get3A_497 = arith.constant 0 : index
      %get3A_498 = tpu.vector_load %arg6[%get3A_496, %get3A_497] {strides = array<i32>} : memref<104x16xf32, #tpu.memory_space<vmem>>, vector<16xf32>,
      %add3A_499 = arith.addf %add3A_492, %get3A_498 : vector<16xf32>
      %mul3A_500 = arith.mulf %get3A_498, %get3A_498 : vector<16xf32>
      %add3A_501 = arith.addf %add3A_494, %mul3A_500 : vector<16xf32>
      %get3A_502 = arith.constant 64 : i32
      %get3A_503 = arith.index_cast %get3A_502 : i32 to index
      %get3A_504 = arith.constant 0 : index
      %get3A_505 = tpu.vector_load %arg6[%get3A_503, %get3A_504] {strides = array<i32>} : memref<104x16xf32, #tpu.memory_space<vmem>>, vector<16xf32>,
      %add3A_506 = arith.addf %add3A_499, %get3A_505 : vector<16xf32>
      %mul3A_507 = arith.mulf %get3A_505, %get3A_505 : vector<16xf32>
      %add3A_508 = arith.addf %add3A_501, %mul3A_507 : vector<16xf32>
      %get3A_509 = arith.constant 65 : i32
      %get3A_510 = arith.index_cast %get3A_509 : i32 to index
      %get3A_511 = arith.constant 0 : index
      %get3A_512 = tpu.vector_load %arg6[%get3A_510, %get3A_511] {strides = array<i32>} : memref<104x16xf32, #tpu.memory_space<vmem>>, vector<16xf32>,
      %add3A_513 = arith.addf %add3A_506, %get3A_512 : vector<16xf32>
      %mul3A_514 = arith.mulf %get3A_512, %get3A_512 : vector<16xf32>
      %add3A_515 = arith.addf %add3A_508, %mul3A_514 : vector<16xf32>
      %get3A_516 = arith.constant 66 : i32
      %get3A_517 = arith.index_cast %get3A_516 : i32 to index
      %get3A_518 = arith.constant 0 : index
      %get3A_519 = tpu.vector_load %arg6[%get3A_517, %get3A_518] {strides = array<i32>} : memref<104x16xf32, #tpu.memory_space<vmem>>, vector<16xf32>,
      %add3A_520 = arith.addf %add3A_513, %get3A_519 : vector<16xf32>
      %mul3A_521 = arith.mulf %get3A_519, %get3A_519 : vector<16xf32>
      %add3A_522 = arith.addf %add3A_515, %mul3A_521 : vector<16xf32>
      %get3A_523 = arith.constant 67 : i32
      %get3A_524 = arith.index_cast %get3A_523 : i32 to index
      %get3A_525 = arith.constant 0 : index
      %get3A_526 = tpu.vector_load %arg6[%get3A_524, %get3A_525] {strides = array<i32>} : memref<104x16xf32, #tpu.memory_space<vmem>>, vector<16xf32>,
      %add3A_527 = arith.addf %add3A_520, %get3A_526 : vector<16xf32>
      %mul3A_528 = arith.mulf %get3A_526, %get3A_526 : vector<16xf32>
      %add3A_529 = arith.addf %add3A_522, %mul3A_528 : vector<16xf32>
      %get3A_530 = arith.constant 68 : i32
      %get3A_531 = arith.index_cast %get3A_530 : i32 to index
      %get3A_532 = arith.constant 0 : index
      %get3A_533 = tpu.vector_load %arg6[%get3A_531, %get3A_532] {strides = array<i32>} : memref<104x16xf32, #tpu.memory_space<vmem>>, vector<16xf32>,
      %add3A_534 = arith.addf %add3A_527, %get3A_533 : vector<16xf32>
      %mul3A_535 = arith.mulf %get3A_533, %get3A_533 : vector<16xf32>
      %add3A_536 = arith.addf %add3A_529, %mul3A_535 : vector<16xf32>
      %get3A_537 = arith.constant 69 : i32
      %get3A_538 = arith.index_cast %get3A_537 : i32 to index
      %get3A_539 = arith.constant 0 : index
      %get3A_540 = tpu.vector_load %arg6[%get3A_538, %get3A_539] {strides = array<i32>} : memref<104x16xf32, #tpu.memory_space<vmem>>, vector<16xf32>,
      %add3A_541 = arith.addf %add3A_534, %get3A_540 : vector<16xf32>
      %mul3A_542 = arith.mulf %get3A_540, %get3A_540 : vector<16xf32>
      %add3A_543 = arith.addf %add3A_536, %mul3A_542 : vector<16xf32>
      %get3A_544 = arith.constant 70 : i32
      %get3A_545 = arith.index_cast %get3A_544 : i32 to index
      %get3A_546 = arith.constant 0 : index
      %get3A_547 = tpu.vector_load %arg6[%get3A_545, %get3A_546] {strides = array<i32>} : memref<104x16xf32, #tpu.memory_space<vmem>>, vector<16xf32>,
      %add3A_548 = arith.addf %add3A_541, %get3A_547 : vector<16xf32>
      %mul3A_549 = arith.mulf %get3A_547, %get3A_547 : vector<16xf32>
      %add3A_550 = arith.addf %add3A_543, %mul3A_549 : vector<16xf32>
      %get3A_551 = arith.constant 71 : i32
      %get3A_552 = arith.index_cast %get3A_551 : i32 to index
      %get3A_553 = arith.constant 0 : index
      %get3A_554 = tpu.vector_load %arg6[%get3A_552, %get3A_553] {strides = array<i32>} : memref<104x16xf32, #tpu.memory_space<vmem>>, vector<16xf32>,
      %add3A_555 = arith.addf %add3A_548, %get3A_554 : vector<16xf32>
      %mul3A_556 = arith.mulf %get3A_554, %get3A_554 : vector<16xf32>
      %add3A_557 = arith.addf %add3A_550, %mul3A_556 : vector<16xf32>
      %get3A_558 = arith.constant 72 : i32
      %get3A_559 = arith.index_cast %get3A_558 : i32 to index
      %get3A_560 = arith.constant 0 : index
      %get3A_561 = tpu.vector_load %arg6[%get3A_559, %get3A_560] {strides = array<i32>} : memref<104x16xf32, #tpu.memory_space<vmem>>, vector<16xf32>,
      %add3A_562 = arith.addf %add3A_555, %get3A_561 : vector<16xf32>
      %mul3A_563 = arith.mulf %get3A_561, %get3A_561 : vector<16xf32>
      %add3A_564 = arith.addf %add3A_557, %mul3A_563 : vector<16xf32>
      %get3A_565 = arith.constant 73 : i32
      %get3A_566 = arith.index_cast %get3A_565 : i32 to index
      %get3A_567 = arith.constant 0 : index
      %get3A_568 = tpu.vector_load %arg6[%get3A_566, %get3A_567] {strides = array<i32>} : memref<104x16xf32, #tpu.memory_space<vmem>>, vector<16xf32>,
      %add3A_569 = arith.addf %add3A_562, %get3A_568 : vector<16xf32>
      %mul3A_570 = arith.mulf %get3A_568, %get3A_568 : vector<16xf32>
      %add3A_571 = arith.addf %add3A_564, %mul3A_570 : vector<16xf32>
      %get3A_572 = arith.constant 74 : i32
      %get3A_573 = arith.index_cast %get3A_572 : i32 to index
      %get3A_574 = arith.constant 0 : index
      %get3A_575 = tpu.vector_load %arg6[%get3A_573, %get3A_574] {strides = array<i32>} : memref<104x16xf32, #tpu.memory_space<vmem>>, vector<16xf32>,
      %add3A_576 = arith.addf %add3A_569, %get3A_575 : vector<16xf32>
      %mul3A_577 = arith.mulf %get3A_575, %get3A_575 : vector<16xf32>
      %add3A_578 = arith.addf %add3A_571, %mul3A_577 : vector<16xf32>
      %get3A_579 = arith.constant 75 : i32
      %get3A_580 = arith.index_cast %get3A_579 : i32 to index
      %get3A_581 = arith.constant 0 : index
      %get3A_582 = tpu.vector_load %arg6[%get3A_580, %get3A_581] {strides = array<i32>} : memref<104x16xf32, #tpu.memory_space<vmem>>, vector<16xf32>,
      %add3A_583 = arith.addf %add3A_576, %get3A_582 : vector<16xf32>
      %mul3A_584 = arith.mulf %get3A_582, %get3A_582 : vector<16xf32>
      %add3A_585 = arith.addf %add3A_578, %mul3A_584 : vector<16xf32>
      %get3A_586 = arith.constant 76 : i32
      %get3A_587 = arith.index_cast %get3A_586 : i32 to index
      %get3A_588 = arith.constant 0 : index
      %get3A_589 = tpu.vector_load %arg6[%get3A_587, %get3A_588] {strides = array<i32>} : memref<104x16xf32, #tpu.memory_space<vmem>>, vector<16xf32>,
      %add3A_590 = arith.addf %add3A_583, %get3A_589 : vector<16xf32>
      %mul3A_591 = arith.mulf %get3A_589, %get3A_589 : vector<16xf32>
      %add3A_592 = arith.addf %add3A_585, %mul3A_591 : vector<16xf32>
      %get3A_593 = arith.constant 77 : i32
      %get3A_594 = arith.index_cast %get3A_593 : i32 to index
      %get3A_595 = arith.constant 0 : index
      %get3A_596 = tpu.vector_load %arg6[%get3A_594, %get3A_595] {strides = array<i32>} : memref<104x16xf32, #tpu.memory_space<vmem>>, vector<16xf32>,
      %add3A_597 = arith.addf %add3A_590, %get3A_596 : vector<16xf32>
      %mul3A_598 = arith.mulf %get3A_596, %get3A_596 : vector<16xf32>
      %add3A_599 = arith.addf %add3A_592, %mul3A_598 : vector<16xf32>
      %mul3A_600 = arith.mulf %add3A_597, %add3A_597 : vector<16xf32>
      %sub3A_601 = arith.subf %mul3A_600, %add3A_599 : vector<16xf32>
      %mul3A_602 = arith.constant 5.000000e-01 : f32
      %mul3A_603 = vector.broadcast %mul3A_602 : f32 to vector<16xf32>
      %mul3A_604 = arith.mulf %mul3A_603, %sub3A_601 : vector<16xf32>
      %mul3A_605 = arith.constant 4 : i32
      %mul3A_606 = arith.muli %add3A_13, %mul3A_605 : i32
      %add3A_607 = arith.constant 2 : i32
      %add3A_608 = arith.addi %mul3A_606, %add3A_607 : i32
      %swap3A_609 = arith.index_cast %add3A_608 : i32 to index
      %swap3A_610 = arith.constant 0 : index
      %swap3A_611 = tpu.vector_load %arg7[%swap3A_609, %swap3A_610] {strides = array<i32>} : memref<512x16xf32, #tpu.memory_space<vmem>>, vector<16xf32>,
      tpu.vector_store %arg7[%swap3A_609, %swap3A_610], %mul3A_604 {strides = array<i32>} : memref<512x16xf32, #tpu.memory_space<vmem>>, vector<16xf32>,
      %broadcast_in_dim3A_612 = arith.constant 0.000000e+00 : f32
      %broadcast_in_dim3A_613 = vector.broadcast %broadcast_in_dim3A_612 : f32 to vector<16xf32>
      %broadcast_in_dim3A_614 = arith.constant 0.000000e+00 : f32
      %broadcast_in_dim3A_615 = vector.broadcast %broadcast_in_dim3A_614 : f32 to vector<16xf32>
      %get3A_616 = arith.constant 78 : i32
      %get3A_617 = arith.index_cast %get3A_616 : i32 to index
      %get3A_618 = arith.constant 0 : index
      %get3A_619 = tpu.vector_load %arg6[%get3A_617, %get3A_618] {strides = array<i32>} : memref<104x16xf32, #tpu.memory_space<vmem>>, vector<16xf32>,
      %add3A_620 = arith.addf %broadcast_in_dim3A_613, %get3A_619 : vector<16xf32>
      %mul3A_621 = arith.mulf %get3A_619, %get3A_619 : vector<16xf32>
      %add3A_622 = arith.addf %broadcast_in_dim3A_615, %mul3A_621 : vector<16xf32>
      %get3A_623 = arith.constant 79 : i32
      %get3A_624 = arith.index_cast %get3A_623 : i32 to index
      %get3A_625 = arith.constant 0 : index
      %get3A_626 = tpu.vector_load %arg6[%get3A_624, %get3A_625] {strides = array<i32>} : memref<104x16xf32, #tpu.memory_space<vmem>>, vector<16xf32>,
      %add3A_627 = arith.addf %add3A_620, %get3A_626 : vector<16xf32>
      %mul3A_628 = arith.mulf %get3A_626, %get3A_626 : vector<16xf32>
      %add3A_629 = arith.addf %add3A_622, %mul3A_628 : vector<16xf32>
      %get3A_630 = arith.constant 80 : i32
      %get3A_631 = arith.index_cast %get3A_630 : i32 to index
      %get3A_632 = arith.constant 0 : index
      %get3A_633 = tpu.vector_load %arg6[%get3A_631, %get3A_632] {strides = array<i32>} : memref<104x16xf32, #tpu.memory_space<vmem>>, vector<16xf32>,
      %add3A_634 = arith.addf %add3A_627, %get3A_633 : vector<16xf32>
      %mul3A_635 = arith.mulf %get3A_633, %get3A_633 : vector<16xf32>
      %add3A_636 = arith.addf %add3A_629, %mul3A_635 : vector<16xf32>
      %get3A_637 = arith.constant 81 : i32
      %get3A_638 = arith.index_cast %get3A_637 : i32 to index
      %get3A_639 = arith.constant 0 : index
      %get3A_640 = tpu.vector_load %arg6[%get3A_638, %get3A_639] {strides = array<i32>} : memref<104x16xf32, #tpu.memory_space<vmem>>, vector<16xf32>,
      %add3A_641 = arith.addf %add3A_634, %get3A_640 : vector<16xf32>
      %mul3A_642 = arith.mulf %get3A_640, %get3A_640 : vector<16xf32>
      %add3A_643 = arith.addf %add3A_636, %mul3A_642 : vector<16xf32>
      %get3A_644 = arith.constant 82 : i32
      %get3A_645 = arith.index_cast %get3A_644 : i32 to index
      %get3A_646 = arith.constant 0 : index
      %get3A_647 = tpu.vector_load %arg6[%get3A_645, %get3A_646] {strides = array<i32>} : memref<104x16xf32, #tpu.memory_space<vmem>>, vector<16xf32>,
      %add3A_648 = arith.addf %add3A_641, %get3A_647 : vector<16xf32>
      %mul3A_649 = arith.mulf %get3A_647, %get3A_647 : vector<16xf32>
      %add3A_650 = arith.addf %add3A_643, %mul3A_649 : vector<16xf32>
      %get3A_651 = arith.constant 83 : i32
      %get3A_652 = arith.index_cast %get3A_651 : i32 to index
      %get3A_653 = arith.constant 0 : index
      %get3A_654 = tpu.vector_load %arg6[%get3A_652, %get3A_653] {strides = array<i32>} : memref<104x16xf32, #tpu.memory_space<vmem>>, vector<16xf32>,
      %add3A_655 = arith.addf %add3A_648, %get3A_654 : vector<16xf32>
      %mul3A_656 = arith.mulf %get3A_654, %get3A_654 : vector<16xf32>
      %add3A_657 = arith.addf %add3A_650, %mul3A_656 : vector<16xf32>
      %get3A_658 = arith.constant 84 : i32
      %get3A_659 = arith.index_cast %get3A_658 : i32 to index
      %get3A_660 = arith.constant 0 : index
      %get3A_661 = tpu.vector_load %arg6[%get3A_659, %get3A_660] {strides = array<i32>} : memref<104x16xf32, #tpu.memory_space<vmem>>, vector<16xf32>,
      %add3A_662 = arith.addf %add3A_655, %get3A_661 : vector<16xf32>
      %mul3A_663 = arith.mulf %get3A_661, %get3A_661 : vector<16xf32>
      %add3A_664 = arith.addf %add3A_657, %mul3A_663 : vector<16xf32>
      %get3A_665 = arith.constant 85 : i32
      %get3A_666 = arith.index_cast %get3A_665 : i32 to index
      %get3A_667 = arith.constant 0 : index
      %get3A_668 = tpu.vector_load %arg6[%get3A_666, %get3A_667] {strides = array<i32>} : memref<104x16xf32, #tpu.memory_space<vmem>>, vector<16xf32>,
      %add3A_669 = arith.addf %add3A_662, %get3A_668 : vector<16xf32>
      %mul3A_670 = arith.mulf %get3A_668, %get3A_668 : vector<16xf32>
      %add3A_671 = arith.addf %add3A_664, %mul3A_670 : vector<16xf32>
      %get3A_672 = arith.constant 86 : i32
      %get3A_673 = arith.index_cast %get3A_672 : i32 to index
      %get3A_674 = arith.constant 0 : index
      %get3A_675 = tpu.vector_load %arg6[%get3A_673, %get3A_674] {strides = array<i32>} : memref<104x16xf32, #tpu.memory_space<vmem>>, vector<16xf32>,
      %add3A_676 = arith.addf %add3A_669, %get3A_675 : vector<16xf32>
      %mul3A_677 = arith.mulf %get3A_675, %get3A_675 : vector<16xf32>
      %add3A_678 = arith.addf %add3A_671, %mul3A_677 : vector<16xf32>
      %get3A_679 = arith.constant 87 : i32
      %get3A_680 = arith.index_cast %get3A_679 : i32 to index
      %get3A_681 = arith.constant 0 : index
      %get3A_682 = tpu.vector_load %arg6[%get3A_680, %get3A_681] {strides = array<i32>} : memref<104x16xf32, #tpu.memory_space<vmem>>, vector<16xf32>,
      %add3A_683 = arith.addf %add3A_676, %get3A_682 : vector<16xf32>
      %mul3A_684 = arith.mulf %get3A_682, %get3A_682 : vector<16xf32>
      %add3A_685 = arith.addf %add3A_678, %mul3A_684 : vector<16xf32>
      %get3A_686 = arith.constant 88 : i32
      %get3A_687 = arith.index_cast %get3A_686 : i32 to index
      %get3A_688 = arith.constant 0 : index
      %get3A_689 = tpu.vector_load %arg6[%get3A_687, %get3A_688] {strides = array<i32>} : memref<104x16xf32, #tpu.memory_space<vmem>>, vector<16xf32>,
      %add3A_690 = arith.addf %add3A_683, %get3A_689 : vector<16xf32>
      %mul3A_691 = arith.mulf %get3A_689, %get3A_689 : vector<16xf32>
      %add3A_692 = arith.addf %add3A_685, %mul3A_691 : vector<16xf32>
      %get3A_693 = arith.constant 89 : i32
      %get3A_694 = arith.index_cast %get3A_693 : i32 to index
      %get3A_695 = arith.constant 0 : index
      %get3A_696 = tpu.vector_load %arg6[%get3A_694, %get3A_695] {strides = array<i32>} : memref<104x16xf32, #tpu.memory_space<vmem>>, vector<16xf32>,
      %add3A_697 = arith.addf %add3A_690, %get3A_696 : vector<16xf32>
      %mul3A_698 = arith.mulf %get3A_696, %get3A_696 : vector<16xf32>
      %add3A_699 = arith.addf %add3A_692, %mul3A_698 : vector<16xf32>
      %get3A_700 = arith.constant 90 : i32
      %get3A_701 = arith.index_cast %get3A_700 : i32 to index
      %get3A_702 = arith.constant 0 : index
      %get3A_703 = tpu.vector_load %arg6[%get3A_701, %get3A_702] {strides = array<i32>} : memref<104x16xf32, #tpu.memory_space<vmem>>, vector<16xf32>,
      %add3A_704 = arith.addf %add3A_697, %get3A_703 : vector<16xf32>
      %mul3A_705 = arith.mulf %get3A_703, %get3A_703 : vector<16xf32>
      %add3A_706 = arith.addf %add3A_699, %mul3A_705 : vector<16xf32>
      %get3A_707 = arith.constant 91 : i32
      %get3A_708 = arith.index_cast %get3A_707 : i32 to index
      %get3A_709 = arith.constant 0 : index
      %get3A_710 = tpu.vector_load %arg6[%get3A_708, %get3A_709] {strides = array<i32>} : memref<104x16xf32, #tpu.memory_space<vmem>>, vector<16xf32>,
      %add3A_711 = arith.addf %add3A_704, %get3A_710 : vector<16xf32>
      %mul3A_712 = arith.mulf %get3A_710, %get3A_710 : vector<16xf32>
      %add3A_713 = arith.addf %add3A_706, %mul3A_712 : vector<16xf32>
      %get3A_714 = arith.constant 92 : i32
      %get3A_715 = arith.index_cast %get3A_714 : i32 to index
      %get3A_716 = arith.constant 0 : index
      %get3A_717 = tpu.vector_load %arg6[%get3A_715, %get3A_716] {strides = array<i32>} : memref<104x16xf32, #tpu.memory_space<vmem>>, vector<16xf32>,
      %add3A_718 = arith.addf %add3A_711, %get3A_717 : vector<16xf32>
      %mul3A_719 = arith.mulf %get3A_717, %get3A_717 : vector<16xf32>
      %add3A_720 = arith.addf %add3A_713, %mul3A_719 : vector<16xf32>
      %get3A_721 = arith.constant 93 : i32
      %get3A_722 = arith.index_cast %get3A_721 : i32 to index
      %get3A_723 = arith.constant 0 : index
      %get3A_724 = tpu.vector_load %arg6[%get3A_722, %get3A_723] {strides = array<i32>} : memref<104x16xf32, #tpu.memory_space<vmem>>, vector<16xf32>,
      %add3A_725 = arith.addf %add3A_718, %get3A_724 : vector<16xf32>
      %mul3A_726 = arith.mulf %get3A_724, %get3A_724 : vector<16xf32>
      %add3A_727 = arith.addf %add3A_720, %mul3A_726 : vector<16xf32>
      %get3A_728 = arith.constant 94 : i32
      %get3A_729 = arith.index_cast %get3A_728 : i32 to index
      %get3A_730 = arith.constant 0 : index
      %get3A_731 = tpu.vector_load %arg6[%get3A_729, %get3A_730] {strides = array<i32>} : memref<104x16xf32, #tpu.memory_space<vmem>>, vector<16xf32>,
      %add3A_732 = arith.addf %add3A_725, %get3A_731 : vector<16xf32>
      %mul3A_733 = arith.mulf %get3A_731, %get3A_731 : vector<16xf32>
      %add3A_734 = arith.addf %add3A_727, %mul3A_733 : vector<16xf32>
      %get3A_735 = arith.constant 95 : i32
      %get3A_736 = arith.index_cast %get3A_735 : i32 to index
      %get3A_737 = arith.constant 0 : index
      %get3A_738 = tpu.vector_load %arg6[%get3A_736, %get3A_737] {strides = array<i32>} : memref<104x16xf32, #tpu.memory_space<vmem>>, vector<16xf32>,
      %add3A_739 = arith.addf %add3A_732, %get3A_738 : vector<16xf32>
      %mul3A_740 = arith.mulf %get3A_738, %get3A_738 : vector<16xf32>
      %add3A_741 = arith.addf %add3A_734, %mul3A_740 : vector<16xf32>
      %get3A_742 = arith.constant 96 : i32
      %get3A_743 = arith.index_cast %get3A_742 : i32 to index
      %get3A_744 = arith.constant 0 : index
      %get3A_745 = tpu.vector_load %arg6[%get3A_743, %get3A_744] {strides = array<i32>} : memref<104x16xf32, #tpu.memory_space<vmem>>, vector<16xf32>,
      %add3A_746 = arith.addf %add3A_739, %get3A_745 : vector<16xf32>
      %mul3A_747 = arith.mulf %get3A_745, %get3A_745 : vector<16xf32>
      %add3A_748 = arith.addf %add3A_741, %mul3A_747 : vector<16xf32>
      %get3A_749 = arith.constant 97 : i32
      %get3A_750 = arith.index_cast %get3A_749 : i32 to index
      %get3A_751 = arith.constant 0 : index
      %get3A_752 = tpu.vector_load %arg6[%get3A_750, %get3A_751] {strides = array<i32>} : memref<104x16xf32, #tpu.memory_space<vmem>>, vector<16xf32>,
      %add3A_753 = arith.addf %add3A_746, %get3A_752 : vector<16xf32>
      %mul3A_754 = arith.mulf %get3A_752, %get3A_752 : vector<16xf32>
      %add3A_755 = arith.addf %add3A_748, %mul3A_754 : vector<16xf32>
      %get3A_756 = arith.constant 98 : i32
      %get3A_757 = arith.index_cast %get3A_756 : i32 to index
      %get3A_758 = arith.constant 0 : index
      %get3A_759 = tpu.vector_load %arg6[%get3A_757, %get3A_758] {strides = array<i32>} : memref<104x16xf32, #tpu.memory_space<vmem>>, vector<16xf32>,
      %add3A_760 = arith.addf %add3A_753, %get3A_759 : vector<16xf32>
      %mul3A_761 = arith.mulf %get3A_759, %get3A_759 : vector<16xf32>
      %add3A_762 = arith.addf %add3A_755, %mul3A_761 : vector<16xf32>
      %get3A_763 = arith.constant 99 : i32
      %get3A_764 = arith.index_cast %get3A_763 : i32 to index
      %get3A_765 = arith.constant 0 : index
      %get3A_766 = tpu.vector_load %arg6[%get3A_764, %get3A_765] {strides = array<i32>} : memref<104x16xf32, #tpu.memory_space<vmem>>, vector<16xf32>,
      %add3A_767 = arith.addf %add3A_760, %get3A_766 : vector<16xf32>
      %mul3A_768 = arith.mulf %get3A_766, %get3A_766 : vector<16xf32>
      %add3A_769 = arith.addf %add3A_762, %mul3A_768 : vector<16xf32>
      %get3A_770 = arith.constant 100 : i32
      %get3A_771 = arith.index_cast %get3A_770 : i32 to index
      %get3A_772 = arith.constant 0 : index
      %get3A_773 = tpu.vector_load %arg6[%get3A_771, %get3A_772] {strides = array<i32>} : memref<104x16xf32, #tpu.memory_space<vmem>>, vector<16xf32>,
      %add3A_774 = arith.addf %add3A_767, %get3A_773 : vector<16xf32>
      %mul3A_775 = arith.mulf %get3A_773, %get3A_773 : vector<16xf32>
      %add3A_776 = arith.addf %add3A_769, %mul3A_775 : vector<16xf32>
      %get3A_777 = arith.constant 101 : i32
      %get3A_778 = arith.index_cast %get3A_777 : i32 to index
      %get3A_779 = arith.constant 0 : index
      %get3A_780 = tpu.vector_load %arg6[%get3A_778, %get3A_779] {strides = array<i32>} : memref<104x16xf32, #tpu.memory_space<vmem>>, vector<16xf32>,
      %add3A_781 = arith.addf %add3A_774, %get3A_780 : vector<16xf32>
      %mul3A_782 = arith.mulf %get3A_780, %get3A_780 : vector<16xf32>
      %add3A_783 = arith.addf %add3A_776, %mul3A_782 : vector<16xf32>
      %get3A_784 = arith.constant 102 : i32
      %get3A_785 = arith.index_cast %get3A_784 : i32 to index
      %get3A_786 = arith.constant 0 : index
      %get3A_787 = tpu.vector_load %arg6[%get3A_785, %get3A_786] {strides = array<i32>} : memref<104x16xf32, #tpu.memory_space<vmem>>, vector<16xf32>,
      %add3A_788 = arith.addf %add3A_781, %get3A_787 : vector<16xf32>
      %mul3A_789 = arith.mulf %get3A_787, %get3A_787 : vector<16xf32>
      %add3A_790 = arith.addf %add3A_783, %mul3A_789 : vector<16xf32>
      %get3A_791 = arith.constant 103 : i32
      %get3A_792 = arith.index_cast %get3A_791 : i32 to index
      %get3A_793 = arith.constant 0 : index
      %get3A_794 = tpu.vector_load %arg6[%get3A_792, %get3A_793] {strides = array<i32>} : memref<104x16xf32, #tpu.memory_space<vmem>>, vector<16xf32>,
      %add3A_795 = arith.addf %add3A_788, %get3A_794 : vector<16xf32>
      %mul3A_796 = arith.mulf %get3A_794, %get3A_794 : vector<16xf32>
      %add3A_797 = arith.addf %add3A_790, %mul3A_796 : vector<16xf32>
      %mul3A_798 = arith.mulf %add3A_795, %add3A_795 : vector<16xf32>
      %sub3A_799 = arith.subf %mul3A_798, %add3A_797 : vector<16xf32>
      %mul3A_800 = arith.constant 5.000000e-01 : f32
      %mul3A_801 = vector.broadcast %mul3A_800 : f32 to vector<16xf32>
      %mul3A_802 = arith.mulf %mul3A_801, %sub3A_799 : vector<16xf32>
      %mul3A_803 = arith.constant 4 : i32
      %mul3A_804 = arith.muli %add3A_13, %mul3A_803 : i32
      %add3A_805 = arith.constant 3 : i32
      %add3A_806 = arith.addi %mul3A_804, %add3A_805 : i32
      %swap3A_807 = arith.index_cast %add3A_806 : i32 to index
      %swap3A_808 = arith.constant 0 : index
      %swap3A_809 = tpu.vector_load %arg7[%swap3A_807, %swap3A_808] {strides = array<i32>} : memref<512x16xf32, #tpu.memory_space<vmem>>, vector<16xf32>,
      tpu.vector_store %arg7[%swap3A_807, %swap3A_808], %mul3A_802 {strides = array<i32>} : memref<512x16xf32, #tpu.memory_space<vmem>>, vector<16xf32>,
    }
    %scan3A_6 = arith.constant 128 : i32
    %mul3A_7 = arith.constant 512 : i32
    %mul3A_8 = arith.muli %add3A, %mul3A_7 : i32
    "tpu.region"() ({
      %run_scoped3A = tpu.sem_alloc : memref<!tpu.dma_semaphore, #tpu.memory_space<semaphore_mem>>
      %dma_start3A = arith.constant 0 : i32
      %dma_start3A_9 = tpu.memref_slice %arg4[%mul3A_8, %dma_start3A] : memref<16384x16xf32, #tpu.memory_space<hbm>> -> memref<512x16xf32, #tpu.memory_space<hbm>>
      %dma_start3A_10 = arith.constant 0 : i32
      %dma_start3A_11 = tpu.memref_slice %arg4[%mul3A_8, %dma_start3A_10] : memref<16384x16xf32, #tpu.memory_space<hbm>> -> memref<512x16xf32, #tpu.memory_space<hbm>>
      tpu.enqueue_dma source(%arg7 : memref<512x16xf32, #tpu.memory_space<vmem>>) target(%dma_start3A_11 : memref<512x16xf32, #tpu.memory_space<hbm>>) target_semaphore(%run_scoped3A : memref<!tpu.dma_semaphore, #tpu.memory_space<semaphore_mem>>)
      %dma_wait3A = arith.constant 0 : i32
      %dma_wait3A_12 = tpu.memref_slice %arg4[%mul3A_8, %dma_wait3A] : memref<16384x16xf32, #tpu.memory_space<hbm>> -> memref<512x16xf32, #tpu.memory_space<hbm>>
      %dma_wait3A_13 = arith.constant 0 : i32
      %dma_wait3A_14 = tpu.memref_slice %arg4[%mul3A_8, %dma_wait3A_13] : memref<16384x16xf32, #tpu.memory_space<hbm>> -> memref<512x16xf32, #tpu.memory_space<hbm>>
      tpu.wait_dma2 semaphore(%run_scoped3A : memref<!tpu.dma_semaphore, #tpu.memory_space<semaphore_mem>>) src(%arg7 : memref<512x16xf32, #tpu.memory_space<vmem>>) dst(%dma_wait3A_14 : memref<512x16xf32, #tpu.memory_space<hbm>>)
      tpu.yield
    }) : () -> ()
    return
  }
}

</mosaic_0001>

<sc_bundles>
// kernel: _sc_gather_fm.4.cloned.1.call-start
scs
__scs_entry_jumppad:
0x0: {  	(pc) =	sbr.rel $0x88, $3  }
0x1: {  	(tag) =	ssettag $0x0;
	lr =	simm.s32 $0x1  }
0x2: {  	[smem:$0x3F9E] =	sst lr;
	_ =	strace $0xD0000000  }
0x3: {  	_ = 	snop  }
0x4: {  	_ = 	snop  }
0x5: {  	_ = 	snop  }
0x6: {  	_ = 	snop  }
0x7: {  	_ = 	snop  }
__scs_overlays_trampoline_lowered:
0x8: {  	[smem:$0x3FAD] =	sst s0  }
0x9: {  	[smem:$0x3FAE] =	sst s1  }
0xa: {  	[smem:$0x3FAF] =	sst s2  }
0xb: {  	[smem:$0x3FB0] =	sst s3  }
0xc: {  	[smem:$0x3FB1] =	sst s4  }
0xd: {  	[smem:$0x3FB2] =	sst s5  }
0xe: {  	[smem:$0x3FB3] =	sst s6  }
0xf: {  	[smem:$0x3FB4] =	sst s7  }
0x10: {  	[smem:$0x3FB5] =	sst s8  }
0x11: {  	[smem:$0x3FB6] =	sst s9;
	s0 =	simm.s32 @!p0 $0x0  }
0x12: {  	s1 =	sld [smem:$0x3F9C];
	s0 =	simm.s32 @p0 $0x1  }
0x13: {  	[smem:$0x3FB7] =	sst s0;
	s0 =	simm.s32 @!p1 $0x0  }
0x14: {  	s2 =	sld [smem:$0x3F9B];
	s0 =	simm.s32 @p1 $0x1  }
0x15: {  	[smem:$0x3FB8] =	sst s0;
	s0 =	simm.s32 @!p2 $0x0  }
0x16: {  	s3 =	sld [smem:$0x3FDB];
	s0 =	simm.s32 @p2 $0x1  }
0x17: {  	s4 =	simm.s32 $0x1BF5;
	[smem:$0x3FBA] =	sst s0  }
0x18: {  	s0 =	sld [smem:$0x3F9D];
	_ =	swait.ge [sflag:s4], $0x0  }
0x19: {  	s7 =	sld [smem:$0x3F9E]  }
0x1a: {  	s8 =	sadd.s32 $0xFFFFE003, lr  }
0x1b: {  	s9 =	sadd.s32 $0xFFFFFEF7, lr;
	s5 =	simm.s32 $0xFFFFFFFF;
	p2 =	slt.u32 s8, $0xFFFFF086  }
0x1c: {  	p1 =	slt.u32 s9, $0xF7A;
	s5 =	simm.s32 @!p2 $0x0  }
0x1d: {  	s5 =	simm.s32 @p1 $0x1;
	p0 =	seq.s32 s7, s2  }
0x1e: {  	s7 =	smul.u32 @!p0 $0xF7A, s2;
	p2 =	seq.s32 @!p0 s5, $0x0  }
0x1f: {  	s9 =	smul.u32 $0xF7A, s1;
	s8 =	simm.s32 @!p0 $0x1BF5;
	p2 =	por !p2, p0  }
0x20: {  	[sflag:s8] =	ssyncset.s32 @!p0 $0xFFFFF086;
	s6 =	sadd.s32 @!p0 s3, s7;
	s7 =	simm.s32 @!p0 $0x108  }
0x21: {  	s3 =	sadd.s32 s3, s9;
	s6 =	sadd.s32 @!p0 $0x88, s6;
	s7 =	simm.s32 @p2 $0x1082  }
0x22: {  	[simem:s7], [sflag:s8] =	dma.local @!p0 [hbm:s6], $0xF7A  }
0x23: {  	s9 =	sor.u32 $0xD0000000, s2;
	s6 =	simm.s32 $0x108;
	_ =	swait.ge @!p0 [sflag:s8], $0x0  }
0x24: {  	s3 =	sadd.s32 $0x88, s3;
	s6 =	simm.s32 @!p1 $0x1082;
	[sflag:s4] =	ssyncset.s32 $0xFFFFF086  }
0x25: {  	[simem:s6], [sflag:s4] =	dma.local [hbm:s3], $0xF7A  }
0x26: {  	[smem:$0x3F9E] =	sst s1;
	(tag) =	ssettag s2;
	_ =	strace s9  }
0x27: {  	s1 =	sld [smem:$0x3FAE]  }
0x28: {  	s2 =	sld [smem:$0x3FAF]  }
0x29: {  	s4 =	sld [smem:$0x3FB1]  }
0x2a: {  	p0 =	seq.s32 s5, $0x0;
	s5 =	sld [smem:$0x3FB2]  }
0x2b: {  	s6 =	sld [smem:$0x3FB3]  }
0x2c: {  	s7 =	sld [smem:$0x3FB4]  }
0x2d: {  	s3 =	simm.s32 $0x108;
	s8 =	sld [smem:$0x3FB5]  }
0x2e: {  	s3 =	simm.s32 @!p0 $0x1082;
	s9 =	sld [smem:$0x3FB6]  }
0x2f: {  	lr =	sadd.s32 s0, s3;
	s0 =	sld [smem:$0x3FAD]  }
0x30: {  	s3 =	sld [smem:$0x3FB0]  }
0x31: {  	[smem:$0x3FB9] =	sst s10  }
0x32: {  	s10 =	sld [smem:$0x3FB7];
	_ =	sdelay $0x3  }
0x33: {  	p0 =	seq.s32 s10, $0x1;
	s10 =	sld [smem:$0x3FB9];
	_ =	sdelay $0x3  }
0x34: {  	[smem:$0x3FB9] =	sst s10  }
0x35: {  	s10 =	sld [smem:$0x3FB8];
	_ =	sdelay $0x3  }
0x36: {  	p1 =	seq.s32 s10, $0x1;
	s10 =	sld [smem:$0x3FB9];
	_ =	sdelay $0x3  }
0x37: {  	[smem:$0x3FB9] =	sst s10  }
0x38: {  	s10 =	sld [smem:$0x3FBA]  }
0x39: {  	_ = 	snop;
	(pc) =	sbr.ind lr, $3  }
0x3a: {  	_ = 	snop  }
0x3b: {  	_ = 	snop  }
0x3c: {  	p2 =	seq.s32 s10, $0x1;
	s10 =	sld [smem:$0x3FB9]  }
0x3d: {  	_ =	shalt  }
0x3e: {  	_ =	shalt  }
0x3f: {  	_ =	shalt  }
0x40: {  	_ =	shalt  }
0x41: {  	_ =	shalt  }
0x42: {  	_ =	shalt  }
0x43: {  	_ =	shalt  }
0x44: {  	_ =	shalt  }
0x45: {  	_ =	shalt  }
0x46: {  	_ =	shalt  }
0x47: {  	_ =	shalt  }
0x48: {  	_ =	shalt  }
0x49: {  	_ =	shalt  }
0x4a: {  	_ =	shalt  }
0x4b: {  	_ =	shalt  }
0x4c: {  	_ =	shalt  }
0x4d: {  	_ =	shalt  }
0x4e: {  	_ =	shalt  }
0x4f: {  	_ =	shalt  }
0x50: {  	_ =	shalt  }
0x51: {  	_ =	shalt  }
0x52: {  	_ =	shalt  }
0x53: {  	_ =	shalt  }
0x54: {  	_ =	shalt  }
0x55: {  	_ =	shalt  }
0x56: {  	_ =	shalt  }
0x57: {  	_ =	shalt  }
0x58: {  	_ =	shalt  }
0x59: {  	_ =	shalt  }
0x5a: {  	_ =	shalt  }
0x5b: {  	_ =	shalt  }
0x5c: {  	_ =	shalt  }
0x5d: {  	_ =	shalt  }
0x5e: {  	_ =	shalt  }
0x5f: {  	_ =	shalt  }
0x60: {  	_ =	shalt  }
0x61: {  	_ =	shalt  }
0x62: {  	_ =	shalt  }
0x63: {  	_ =	shalt  }
0x64: {  	_ =	shalt  }
0x65: {  	_ =	shalt  }
0x66: {  	_ =	shalt  }
0x67: {  	_ =	shalt  }
0x68: {  	_ =	shalt  }
0x69: {  	_ =	shalt  }
0x6a: {  	_ =	shalt  }
0x6b: {  	_ =	shalt  }
0x6c: {  	_ =	shalt  }
0x6d: {  	_ =	shalt  }
0x6e: {  	_ =	shalt  }
0x6f: {  	_ =	shalt  }
0x70: {  	_ =	shalt  }
0x71: {  	_ =	shalt  }
0x72: {  	_ =	shalt  }
0x73: {  	_ =	shalt  }
0x74: {  	_ =	shalt  }
0x75: {  	_ =	shalt  }
0x76: {  	_ =	shalt  }
0x77: {  	_ =	shalt  }
0x78: {  	_ =	shalt  }
0x79: {  	_ =	shalt  }
0x7a: {  	_ =	shalt  }
0x7b: {  	_ =	shalt  }
0x7c: {  	_ =	shalt  }
0x7d: {  	_ =	shalt  }
0x7e: {  	_ =	shalt  }
0x7f: {  	_ =	shalt  }
0x80: {  	_ =	shalt  }
0x81: {  	_ =	shalt  }
0x82: {  	_ =	shalt  }
0x83: {  	_ =	shalt  }
0x84: {  	_ =	shalt  }
0x85: {  	_ =	shalt  }
0x86: {  	_ =	shalt  }
0x87: {  	_ =	shalt  }
.Lfunc_end0:
.L_simem_size_0:
called_computation_lowered:
.L_overlay_start_0:
0x88: {  	s2 =	sld [smem:$0x3FD9]  }
0x89: {  	s3 =	sld [smem:$0x3FFE];
	_ =	sdelay $0x1  }
0x8a: {  	s1 =	srdreg.scid  }
0x8b: {  	s0 =	sand.u32 $0x1, s1  }
0x8c: {  	s14 =	sshll.u32 s0, $0xA;
	s2 =	sadd.s32 s3, s2  }
0x8d: {  	s2 =	sadd.s32 s2, s14  }
0x8e: {  	[smem:$0x3FC5] =	sst s2  }
0x8f: {  	_ = 	snop  }
0x90: {  	s2 =	sld [smem:$0x3FD0];
	_ =	sdelay $0x2  }
0x91: {  	s4 =	simm.s32 $0xB;
	s5 =	simm.s32 $0x10;
	s15 =	sld [smem:$0x3FC9]  }
0x92: {  	[smem:s5], [sflag:s4] =	dma.local [hbm:s2], $0x1  }
0x93: {  	_ =	swait.eq [sflag:s4], $0x1  }
0x94: {  	[sflag:s4] =	ssyncset.done $0x0  }
0x95: {  	[sflag:s4] =	ssyncadd.s32 $0xFFFFFFFF  }
0x96: {  	s16 =	sld [smem:$0x10];
	(tm) =	ssettm $0x1  }
0x97: {  	s17 =	sld [smem:$0x3FFB];
	_ =	sdelay $0x3  }
0x98: {  	_ =	strace s17  }
0x99: {  	s4 =	sld [smem:$0x3FFC];
	_ =	sdelay $0x3  }
0x9a: {  	_ =	strace s4  }
0x9b: {  	s4 =	sld [smem:$0x3FFD];
	_ =	sdelay $0x3  }
0x9c: {  	_ =	strace s4  }
0x9d: {  	_ =	strace $0x8FFFFFFF  }
0x9e: {  	s18 =	sld [smem:$0x3FDB];
	_ =	sdelay $0x1  }
0x9f: {  	s19 =	simm.s32 $_scs_section_size  }
0xa0: {  	s6 =	simm.s32 $_size__tile_overlayer_lowered;
	s7 =	simm.s32 $_tile_overlayer_lowered  }
0xa1: {  	s22 =	simm.s32 $0x1BFF;
	s21 =	sshll.u32 s7, $0x1;
	s4 =	sadd.s32 s19, s18  }
0xa2: {  	s8 =	simm.s32 $0x0;
	s20 =	sshll.u32 s6, $0x1;
	s6 =	sadd.s32 s21, s4  }
0xa3: {  	[timem:s8], [sflag:s22] =	dma.local [hbm:s6], s20  }
0xa4: {  	_ =	swait.ge [sflag:s22], s20  }
0xa5: {  	s5 =	ssub.s32 $0x0, s20;
	[sflag:s22] =	ssyncset.done $0x0  }
0xa6: {  	[sflag:s22] =	ssyncadd.s32 s5;
	_ =	sdelay $0x1  }
0xa7: {  	s23 =	simm.s32 $0x1B8B  }
0xa8: {  	_ =	swait.ge [sflag:s23], $0x1  }
0xa9: {  	[sflag:s23] =	ssyncset.done $0x0  }
0xaa: {  	s25 =	simm.s32 $0x1B8E;
	s24 =	sld [smem:$0x3FFE];
	[sflag:s23] =	ssyncadd.s32 $0xFFFFFFFF  }
0xab: {  	s26 =	simm.s32 $execute0_lowered;
	[smem:$0x3FD2] =	sst s25  }
0xac: {  	s6 =	sshll.u32 s26, $0x1;
	_ =	strace $0x80000046;
	[dreg:$0x1] =	wrdreg $0xFFFFFFFF  }
0xad: {  	s28 =	simm.s32 $_size_execute0_lowered;
	s4 =	sadd.s32 s4, s6;
	[dreg:$0x0] =	wrdreg $0x0  }
0xae: {  	s6 =	sshll.u32 s28, $0x1;
	[dreg:$0x2] =	wrdreg s4  }
0xaf: {  	[dreg:$0x3] =	wrdreg s6  }
0xb0: {  	[dreg:$0x4] =	wrdreg $0xC0  }
0xb1: {  	_ =	task [dreg:s8], $0x5FFFF  }
0xb2: {  	[dreg:$0x1] =	wrdreg $0xFFFFFFFF  }
0xb3: {  	[dreg:$0x0] =	wrdreg $0x60  }
0xb4: {  	[dreg:$0x2] =	wrdreg s15  }
0xb5: {  	[dreg:$0x3] =	wrdreg s24  }
0xb6: {  	[dreg:$0x4] =	wrdreg s16  }
0xb7: {  	[dreg:$0x5] =	wrdreg $0x9  }
0xb8: {  	_ =	task.clear_ibuf [dreg:s8], $0x6FFFF;
	_ =	strace $0x90000046  }
0xb9: {  	s29 =	simm.s32 $0x9;
	_ =	strace $0x80000048  }
0xba: {  	_ =	swait.ge [sflag:s29], $0x1  }
0xbb: {  	[sflag:s29] =	ssyncadd.s32 $0xFFFFFFFF  }
0xbc: {  	_ =	strace $0x90000048  }
0xbd: {  	_ =	sfence  }
0xbe: {  	s30 =	sld [smem:$0x0];
	_ =	sdelay $0x2  }
0xbf: {  	s31 =	sshll.u32 s1, $0xD;
	s1 =	sshrl.u32 s1, $0x2  }
0xc0: {  	s3 =	sand.u32 $0x4000, s31;
	s1 =	sadd.s32 s1, s30  }
0xc1: {  	s0 =	sor.u32 s3, s0;
	s1 =	sshll.u32 s1, $0x11  }
0xc2: {  	s0 =	sor.u32 s1, s0  }
0xc3: {  	s0 =	sadd.s32 $0x8F2B, s0  }
0xc4: {  	[sflag:s0] =	ssyncadd.remote.s32 $0x1  }
0xc5: {  	_ =	sfence.sel $0xFFFF  }
0xc6: {  	[dreg:$0x0] =	wrdreg $0xFFFFFFFF;
	(pc) =	sbr.abs _section_cstart, $3  }
0xc7: {  	[dreg:$0x1] =	wrdreg $0xFFFFFFFF  }
0xc8: {  	_ =	task.clear_ibuf [dreg:s8], $0x2FFFF;
	_ =	strace $0x9FFFFFFF  }
0xc9: {  	(tm) =	ssettm $0x7FFFFFFF  }
tec
execute0_lowered:
.L_overlay_start_1:
0x0: {  	(tag) =	ssettag $0x1  }
0x1: {  	s4 =	rddreg [dreg:$0x0]  }
0x2: {  	s3 =	rddreg [dreg:$0x1]  }
0x3: {  	s5 =	rddreg [dreg:$0x2]  }
0x4: {  	s0 =	rddreg [dreg:$0x3]  }
0x5: {  	s6 =	srdreg.scid;
	s1 =	stileid.u32  }
0x6: {  	s2 =	simm.s32 $0x0;
	s10 =	simm.s32 $0x1;
	s11 =	simm.s32 $0x3A80  }
0x7: {  	s12 =	simm.s32 $0x0;
	s6 =	sand.u32 $0x1, s6;
	s7 =	sshll.u32 s1, $0x1  }
0x8: {  	[smem:$0x7FF] =	sst s2;
	s8 =	ssub.s32 $0x2, s6;
	s6 =	sor.u32 s6, s7  }
0x9: {  	s3 =	sadd.s32 $0x27ACC00, s3;
	s31 =	sshrl.u32 s8, $0x1;
	s9 =	smul.u32 $0x680, s6  }
0xa: {  	_ =	strace $0x80000047;
	s6 =	sshll.u32 s6, $0xA;
	s7 =	ssub.s32 s8, s31  }
0xb: {  	s5 =	sadd.s32 s5, s6;
	s8 =	simm.s32 $0x68;
	s4 =	sadd.s32 s4, s9  }
0xc: {  	s6 =	smax.u32 s7, $0x1;
	s7 =	simm.s32 $0x2;
	s9 =	simm.s32 $0x3400  }
.LBB2_1:
0xd: {  	[tilespmem:s2], [sflag:$0x2] =	stream.linear.gather [hbm4b:s4+s2], $0x3400, $0x38;
	[tilespmem:$0x5A80] =	vst v63  }
0xe: {  	_ =	swait.ge [sflag:s7], $0x3400  }
0xf: {  	[sflag:s7] =	ssyncset.done $0x0  }
0x10: {  	s13 =	simm.s32 $0x0;
	[sflag:s7] =	ssyncadd.s32 $0xFFFFCC00  }
0x11: {  	[tilespmem:s9], [sflag:$0x1] =	stream.indirect.gather [hbm4b:s3+s8], $0x10, s13, s8, $0xb8;
	[tilespmem:$0x5A80] =	vst v63  }
0x12: {  	_ =	swait.ge [sflag:s10], $0x680  }
0x13: {  	[sflag:s10] =	ssyncset.done $0x0  }
0x14: {  	[sflag:s10] =	ssyncadd.s32 $0xFFFFF980  }
0x15: {  	v0 =	vld [tilespmem:$0x3400];
	_ =	sdelay $0x1  }
0x16: {  	v1 =	vld [tilespmem:$0x3410];
	_ =	sdelay $0x1  }
0x17: {  	v2 =	vld [tilespmem:$0x3420]  }
0x18: {  	v3 =	vadd.f32 $0.0e+00, v0  }
0x19: {  	v4 =	vld [tilespmem:$0x3430]  }
0x1a: {  	v0 =	vmul.f32 v0, v0;
	v3 =	vadd.f32 v1, v3;
	v1 =	vmul.f32 v1, v1  }
0x1b: {  	v5 =	vld [tilespmem:$0x3440]  }
0x1c: {  	v0 =	vadd.f32 v1, v0;
	v1 =	vadd.f32 v2, v3;
	v2 =	vmul.f32 v2, v2  }
0x1d: {  	v3 =	vld [tilespmem:$0x3450]  }
0x1e: {  	v0 =	vadd.f32 v2, v0;
	v1 =	vadd.f32 v4, v1;
	v2 =	vmul.f32 v4, v4  }
0x1f: {  	v28 =	vld [tilespmem:$0x3460]  }
0x20: {  	v0 =	vadd.f32 v2, v0;
	v1 =	vadd.f32 v5, v1;
	v2 =	vmul.f32 v5, v5  }
0x21: {  	v29 =	vld [tilespmem:$0x3470]  }
0x22: {  	v0 =	vadd.f32 v2, v0;
	v1 =	vadd.f32 v3, v1;
	v2 =	vmul.f32 v3, v3  }
0x23: {  	v3 =	vld [tilespmem:$0x3480]  }
0x24: {  	v0 =	vadd.f32 v2, v0;
	v1 =	vadd.f32 v28, v1;
	v2 =	vmul.f32 v28, v28  }
0x25: {  	v30 =	vld [tilespmem:$0x3490]  }
0x26: {  	v0 =	vadd.f32 v2, v0;
	v1 =	vadd.f32 v29, v1;
	v2 =	vmul.f32 v29, v29  }
0x27: {  	v31 =	vld [tilespmem:$0x34A0]  }
0x28: {  	v0 =	vadd.f32 v2, v0;
	v1 =	vadd.f32 v3, v1;
	v2 =	vmul.f32 v3, v3  }
0x29: {  	v3 =	vld [tilespmem:$0x34B0]  }
0x2a: {  	v0 =	vadd.f32 v2, v0;
	v1 =	vadd.f32 v30, v1;
	v2 =	vmul.f32 v30, v30  }
0x2b: {  	v32 =	vld [tilespmem:$0x34C0]  }
0x2c: {  	v0 =	vadd.f32 v2, v0;
	v1 =	vadd.f32 v31, v1;
	v2 =	vmul.f32 v31, v31  }
0x2d: {  	v33 =	vld [tilespmem:$0x34D0]  }
0x2e: {  	v0 =	vadd.f32 v2, v0;
	v1 =	vadd.f32 v3, v1;
	v2 =	vmul.f32 v3, v3  }
0x2f: {  	v3 =	vld [tilespmem:$0x34E0]  }
0x30: {  	v0 =	vadd.f32 v2, v0;
	v1 =	vadd.f32 v32, v1;
	v2 =	vmul.f32 v32, v32  }
0x31: {  	v34 =	vld [tilespmem:$0x34F0]  }
0x32: {  	v0 =	vadd.f32 v2, v0;
	v1 =	vadd.f32 v33, v1;
	v2 =	vmul.f32 v33, v33  }
0x33: {  	v35 =	vld [tilespmem:$0x3500]  }
0x34: {  	v0 =	vadd.f32 v2, v0;
	v1 =	vadd.f32 v3, v1;
	v2 =	vmul.f32 v3, v3  }
0x35: {  	v3 =	vld [tilespmem:$0x3510]  }
0x36: {  	v0 =	vadd.f32 v2, v0;
	v1 =	vadd.f32 v34, v1;
	v2 =	vmul.f32 v34, v34  }
0x37: {  	v36 =	vld [tilespmem:$0x3520]  }
0x38: {  	v0 =	vadd.f32 v2, v0;
	v1 =	vadd.f32 v35, v1;
	v2 =	vmul.f32 v35, v35  }
0x39: {  	v37 =	vld [tilespmem:$0x3530]  }
0x3a: {  	v0 =	vadd.f32 v2, v0;
	v1 =	vadd.f32 v3, v1;
	v2 =	vmul.f32 v3, v3  }
0x3b: {  	v3 =	vld [tilespmem:$0x3540]  }
0x3c: {  	v0 =	vadd.f32 v2, v0;
	v1 =	vadd.f32 v36, v1;
	v2 =	vmul.f32 v36, v36  }
0x3d: {  	v38 =	vld [tilespmem:$0x3550]  }
0x3e: {  	v0 =	vadd.f32 v2, v0;
	v1 =	vadd.f32 v37, v1;
	v2 =	vmul.f32 v37, v37  }
0x3f: {  	v39 =	vld [tilespmem:$0x3560]  }
0x40: {  	v0 =	vadd.f32 v2, v0;
	v1 =	vadd.f32 v3, v1;
	v2 =	vmul.f32 v3, v3  }
0x41: {  	v3 =	vld [tilespmem:$0x3570]  }
0x42: {  	v0 =	vadd.f32 v2, v0;
	v1 =	vadd.f32 v38, v1;
	v2 =	vmul.f32 v38, v38  }
0x43: {  	v40 =	vld [tilespmem:$0x3580]  }
0x44: {  	v0 =	vadd.f32 v2, v0;
	v1 =	vadd.f32 v39, v1;
	v2 =	vmul.f32 v39, v39  }
0x45: {  	v41 =	vld [tilespmem:$0x3590]  }
0x46: {  	v0 =	vadd.f32 v2, v0;
	v1 =	vadd.f32 v3, v1;
	v2 =	vmul.f32 v3, v3;
	_ =	sdelay $0x1  }
0x47: {  	v0 =	vadd.f32 v2, v0;
	v1 =	vadd.f32 v40, v1;
	v2 =	vmul.f32 v40, v40;
	_ =	sdelay $0x1  }
0x48: {  	v0 =	vadd.f32 v2, v0;
	v1 =	vadd.f32 v41, v1;
	v2 =	vmul.f32 v41, v41;
	_ =	sdelay $0x1  }
0x49: {  	v0 =	vadd.f32 v2, v0;
	v1 =	vmul.f32 v1, v1;
	_ =	sdelay $0x1  }
0x4a: {  	v0 =	vsub.f32 v1, v0;
	_ =	sdelay $0x1  }
0x4b: {  	v0 =	vmul.f32 $5.000000000e-01, v0  }
0x4c: {  	s13 =	simm.s32 $0x3AA0  }
0x4d: {  	[tilespmem:s13+$0xFFFFFFE0] =	vst v0  }
0x4e: {  	v0 =	vld [tilespmem:$0x35A0];
	_ =	sdelay $0x1  }
0x4f: {  	v1 =	vld [tilespmem:$0x35B0];
	_ =	sdelay $0x1  }
0x50: {  	v2 =	vld [tilespmem:$0x35C0]  }
0x51: {  	v3 =	vadd.f32 $0.0e+00, v0  }
0x52: {  	v42 =	vld [tilespmem:$0x35D0]  }
0x53: {  	v0 =	vmul.f32 v0, v0;
	v3 =	vadd.f32 v1, v3;
	v1 =	vmul.f32 v1, v1  }
0x54: {  	v43 =	vld [tilespmem:$0x35E0]  }
0x55: {  	v0 =	vadd.f32 v1, v0;
	v1 =	vadd.f32 v2, v3;
	v2 =	vmul.f32 v2, v2  }
0x56: {  	v3 =	vld [tilespmem:$0x35F0]  }
0x57: {  	v0 =	vadd.f32 v2, v0;
	v1 =	vadd.f32 v42, v1;
	v2 =	vmul.f32 v42, v42  }
0x58: {  	v44 =	vld [tilespmem:$0x3600]  }
0x59: {  	v0 =	vadd.f32 v2, v0;
	v1 =	vadd.f32 v43, v1;
	v2 =	vmul.f32 v43, v43  }
0x5a: {  	v45 =	vld [tilespmem:$0x3610]  }
0x5b: {  	v0 =	vadd.f32 v2, v0;
	v1 =	vadd.f32 v3, v1;
	v2 =	vmul.f32 v3, v3  }
0x5c: {  	v3 =	vld [tilespmem:$0x3620]  }
0x5d: {  	v0 =	vadd.f32 v2, v0;
	v1 =	vadd.f32 v44, v1;
	v2 =	vmul.f32 v44, v44  }
0x5e: {  	v46 =	vld [tilespmem:$0x3630]  }
0x5f: {  	v0 =	vadd.f32 v2, v0;
	v1 =	vadd.f32 v45, v1;
	v2 =	vmul.f32 v45, v45  }
0x60: {  	v47 =	vld [tilespmem:$0x3640]  }
0x61: {  	v0 =	vadd.f32 v2, v0;
	v1 =	vadd.f32 v3, v1;
	v2 =	vmul.f32 v3, v3  }
0x62: {  	v3 =	vld [tilespmem:$0x3650]  }
0x63: {  	v0 =	vadd.f32 v2, v0;
	v1 =	vadd.f32 v46, v1;
	v2 =	vmul.f32 v46, v46  }
0x64: {  	v48 =	vld [tilespmem:$0x3660]  }
0x65: {  	v0 =	vadd.f32 v2, v0;
	v1 =	vadd.f32 v47, v1;
	v2 =	vmul.f32 v47, v47  }
0x66: {  	v49 =	vld [tilespmem:$0x3670]  }
0x67: {  	v0 =	vadd.f32 v2, v0;
	v1 =	vadd.f32 v3, v1;
	v2 =	vmul.f32 v3, v3  }
0x68: {  	v3 =	vld [tilespmem:$0x3680]  }
0x69: {  	v0 =	vadd.f32 v2, v0;
	v1 =	vadd.f32 v48, v1;
	v2 =	vmul.f32 v48, v48  }
0x6a: {  	v50 =	vld [tilespmem:$0x3690]  }
0x6b: {  	v0 =	vadd.f32 v2, v0;
	v1 =	vadd.f32 v49, v1;
	v2 =	vmul.f32 v49, v49  }
0x6c: {  	v51 =	vld [tilespmem:$0x36A0]  }
0x6d: {  	v0 =	vadd.f32 v2, v0;
	v1 =	vadd.f32 v3, v1;
	v2 =	vmul.f32 v3, v3  }
0x6e: {  	v3 =	vld [tilespmem:$0x36B0]  }
0x6f: {  	v0 =	vadd.f32 v2, v0;
	v1 =	vadd.f32 v50, v1;
	v2 =	vmul.f32 v50, v50  }
0x70: {  	v52 =	vld [tilespmem:$0x36C0]  }
0x71: {  	v0 =	vadd.f32 v2, v0;
	v1 =	vadd.f32 v51, v1;
	v2 =	vmul.f32 v51, v51  }
0x72: {  	v53 =	vld [tilespmem:$0x36D0]  }
0x73: {  	v0 =	vadd.f32 v2, v0;
	v1 =	vadd.f32 v3, v1;
	v2 =	vmul.f32 v3, v3  }
0x74: {  	v3 =	vld [tilespmem:$0x36E0]  }
0x75: {  	v0 =	vadd.f32 v2, v0;
	v1 =	vadd.f32 v52, v1;
	v2 =	vmul.f32 v52, v52  }
0x76: {  	v54 =	vld [tilespmem:$0x36F0]  }
0x77: {  	v0 =	vadd.f32 v2, v0;
	v1 =	vadd.f32 v53, v1;
	v2 =	vmul.f32 v53, v53  }
0x78: {  	v55 =	vld [tilespmem:$0x3700]  }
0x79: {  	v0 =	vadd.f32 v2, v0;
	v1 =	vadd.f32 v3, v1;
	v2 =	vmul.f32 v3, v3  }
0x7a: {  	v3 =	vld [tilespmem:$0x3710]  }
0x7b: {  	v0 =	vadd.f32 v2, v0;
	v1 =	vadd.f32 v54, v1;
	v2 =	vmul.f32 v54, v54  }
0x7c: {  	v56 =	vld [tilespmem:$0x3720]  }
0x7d: {  	v0 =	vadd.f32 v2, v0;
	v1 =	vadd.f32 v55, v1;
	v2 =	vmul.f32 v55, v55  }
0x7e: {  	v57 =	vld [tilespmem:$0x3730]  }
0x7f: {  	v0 =	vadd.f32 v2, v0;
	v1 =	vadd.f32 v3, v1;
	v2 =	vmul.f32 v3, v3;
	_ =	sdelay $0x1  }
0x80: {  	v0 =	vadd.f32 v2, v0;
	v1 =	vadd.f32 v56, v1;
	v2 =	vmul.f32 v56, v56;
	_ =	sdelay $0x1  }
0x81: {  	v0 =	vadd.f32 v2, v0;
	v1 =	vadd.f32 v57, v1;
	v2 =	vmul.f32 v57, v57;
	_ =	sdelay $0x1  }
0x82: {  	v0 =	vadd.f32 v2, v0;
	v1 =	vmul.f32 v1, v1;
	_ =	sdelay $0x1  }
0x83: {  	v0 =	vsub.f32 v1, v0;
	_ =	sdelay $0x1  }
0x84: {  	v0 =	vmul.f32 $5.000000000e-01, v0;
	_ =	sdelay $0x1  }
0x85: {  	[tilespmem:s13+$0xFFFFFFF0] =	vst v0  }
0x86: {  	v0 =	vld [tilespmem:$0x3740];
	_ =	sdelay $0x1  }
0x87: {  	v1 =	vld [tilespmem:$0x3750];
	_ =	sdelay $0x1  }
0x88: {  	v2 =	vld [tilespmem:$0x3760]  }
0x89: {  	v3 =	vadd.f32 $0.0e+00, v0  }
0x8a: {  	v58 =	vld [tilespmem:$0x3770]  }
0x8b: {  	v0 =	vmul.f32 v0, v0;
	v59 =	vmul.f32 v1, v1;
	v1 =	vadd.f32 v1, v3  }
0x8c: {  	v3 =	vld [tilespmem:$0x3780]  }
0x8d: {  	v60 =	vmul.f32 v2, v2;
	v0 =	vadd.f32 v59, v0;
	v1 =	vadd.f32 v2, v1  }
0x8e: {  	v2 =	vld [tilespmem:$0x3790]  }
0x8f: {  	v61 =	vmul.f32 v58, v58;
	v0 =	vadd.f32 v60, v0;
	v1 =	vadd.f32 v58, v1  }
0x90: {  	v62 =	vld [tilespmem:$0x37A0]  }
0x91: {  	v0 =	vadd.f32 v61, v0;
	v63 =	vmul.f32 v3, v3;
	v1 =	vadd.f32 v3, v1  }
0x92: {  	v3 =	vld [tilespmem:$0x37B0]  }
0x93: {  	v0 =	vadd.f32 v63, v0;
	v8 =	vmul.f32 v2, v2;
	v1 =	vadd.f32 v2, v1  }
0x94: {  	v2 =	vld [tilespmem:$0x37C0]  }
0x95: {  	v9 =	vmul.f32 v62, v62;
	v0 =	vadd.f32 v8, v0;
	v1 =	vadd.f32 v62, v1  }
0x96: {  	v10 =	vld [tilespmem:$0x37D0]  }
0x97: {  	v0 =	vadd.f32 v9, v0;
	v11 =	vmul.f32 v3, v3;
	v1 =	vadd.f32 v3, v1  }
0x98: {  	v3 =	vld [tilespmem:$0x37E0]  }
0x99: {  	v0 =	vadd.f32 v11, v0;
	v12 =	vmul.f32 v2, v2;
	v1 =	vadd.f32 v2, v1  }
0x9a: {  	v2 =	vld [tilespmem:$0x37F0]  }
0x9b: {  	v13 =	vmul.f32 v10, v10;
	v0 =	vadd.f32 v12, v0;
	v1 =	vadd.f32 v10, v1  }
0x9c: {  	v14 =	vld [tilespmem:$0x3800]  }
0x9d: {  	v0 =	vadd.f32 v13, v0;
	v15 =	vmul.f32 v3, v3;
	v1 =	vadd.f32 v3, v1  }
0x9e: {  	v3 =	vld [tilespmem:$0x3810]  }
0x9f: {  	v0 =	vadd.f32 v15, v0;
	v16 =	vmul.f32 v2, v2;
	v1 =	vadd.f32 v2, v1  }
0xa0: {  	v2 =	vld [tilespmem:$0x3820]  }
0xa1: {  	v17 =	vmul.f32 v14, v14;
	v0 =	vadd.f32 v16, v0;
	v1 =	vadd.f32 v14, v1  }
0xa2: {  	v18 =	vld [tilespmem:$0x3830]  }
0xa3: {  	v0 =	vadd.f32 v17, v0;
	v19 =	vmul.f32 v3, v3;
	v1 =	vadd.f32 v3, v1  }
0xa4: {  	v3 =	vld [tilespmem:$0x3840]  }
0xa5: {  	v0 =	vadd.f32 v19, v0;
	v20 =	vmul.f32 v2, v2;
	v1 =	vadd.f32 v2, v1  }
0xa6: {  	v2 =	vld [tilespmem:$0x3850]  }
0xa7: {  	v21 =	vmul.f32 v18, v18;
	v0 =	vadd.f32 v20, v0;
	v1 =	vadd.f32 v18, v1  }
0xa8: {  	v22 =	vld [tilespmem:$0x3860]  }
0xa9: {  	v0 =	vadd.f32 v21, v0;
	v23 =	vmul.f32 v3, v3;
	v1 =	vadd.f32 v3, v1  }
0xaa: {  	v3 =	vld [tilespmem:$0x3870]  }
0xab: {  	v0 =	vadd.f32 v23, v0;
	v24 =	vmul.f32 v2, v2;
	v1 =	vadd.f32 v2, v1  }
0xac: {  	v2 =	vld [tilespmem:$0x3880]  }
0xad: {  	v25 =	vmul.f32 v22, v22;
	v0 =	vadd.f32 v24, v0;
	v1 =	vadd.f32 v22, v1  }
0xae: {  	v26 =	vld [tilespmem:$0x3890]  }
0xaf: {  	v0 =	vadd.f32 v25, v0;
	v27 =	vmul.f32 v3, v3;
	v1 =	vadd.f32 v3, v1  }
0xb0: {  	v3 =	vld [tilespmem:$0x38A0]  }
0xb1: {  	v0 =	vadd.f32 v27, v0;
	v28 =	vmul.f32 v2, v2;
	v1 =	vadd.f32 v2, v1  }
0xb2: {  	v2 =	vld [tilespmem:$0x38B0]  }
0xb3: {  	v29 =	vmul.f32 v26, v26;
	v0 =	vadd.f32 v28, v0;
	v1 =	vadd.f32 v26, v1  }
0xb4: {  	v30 =	vld [tilespmem:$0x38C0]  }
0xb5: {  	v0 =	vadd.f32 v29, v0;
	v31 =	vmul.f32 v3, v3;
	v1 =	vadd.f32 v3, v1  }
0xb6: {  	v3 =	vld [tilespmem:$0x38D0]  }
0xb7: {  	v0 =	vadd.f32 v31, v0;
	v32 =	vmul.f32 v2, v2;
	v1 =	vadd.f32 v2, v1;
	_ =	sdelay $0x1  }
0xb8: {  	v2 =	vmul.f32 v30, v30;
	v0 =	vadd.f32 v32, v0;
	v1 =	vadd.f32 v30, v1;
	_ =	sdelay $0x1  }
0xb9: {  	v0 =	vadd.f32 v2, v0;
	v2 =	vmul.f32 v3, v3;
	v1 =	vadd.f32 v3, v1;
	_ =	sdelay $0x1  }
0xba: {  	v0 =	vadd.f32 v2, v0;
	v1 =	vmul.f32 v1, v1;
	_ =	sdelay $0x1  }
0xbb: {  	v0 =	vsub.f32 v1, v0;
	_ =	sdelay $0x1  }
0xbc: {  	v0 =	vmul.f32 $5.000000000e-01, v0;
	_ =	sdelay $0x1  }
0xbd: {  	[tilespmem:s13+$0x0] =	vst v0  }
0xbe: {  	v0 =	vld [tilespmem:$0x38E0];
	_ =	sdelay $0x1  }
0xbf: {  	v1 =	vld [tilespmem:$0x38F0];
	_ =	sdelay $0x1  }
0xc0: {  	v2 =	vld [tilespmem:$0x3900]  }
0xc1: {  	v3 =	vadd.f32 $0.0e+00, v0  }
0xc2: {  	v33 =	vld [tilespmem:$0x3910]  }
0xc3: {  	v0 =	vmul.f32 v0, v0;
	v34 =	vmul.f32 v1, v1;
	v1 =	vadd.f32 v1, v3  }
0xc4: {  	v3 =	vld [tilespmem:$0x3920]  }
0xc5: {  	v35 =	vmul.f32 v2, v2;
	v0 =	vadd.f32 v34, v0;
	v1 =	vadd.f32 v2, v1  }
0xc6: {  	v2 =	vld [tilespmem:$0x3930]  }
0xc7: {  	v36 =	vmul.f32 v33, v33;
	v0 =	vadd.f32 v35, v0;
	v1 =	vadd.f32 v33, v1  }
0xc8: {  	v37 =	vld [tilespmem:$0x3940]  }
0xc9: {  	v0 =	vadd.f32 v36, v0;
	v38 =	vmul.f32 v3, v3;
	v1 =	vadd.f32 v3, v1  }
0xca: {  	v3 =	vld [tilespmem:$0x3950]  }
0xcb: {  	v0 =	vadd.f32 v38, v0;
	v39 =	vmul.f32 v2, v2;
	v1 =	vadd.f32 v2, v1  }
0xcc: {  	v2 =	vld [tilespmem:$0x3960]  }
0xcd: {  	v40 =	vmul.f32 v37, v37;
	v0 =	vadd.f32 v39, v0;
	v1 =	vadd.f32 v37, v1  }
0xce: {  	v41 =	vld [tilespmem:$0x3970]  }
0xcf: {  	v0 =	vadd.f32 v40, v0;
	v42 =	vmul.f32 v3, v3;
	v1 =	vadd.f32 v3, v1  }
0xd0: {  	v3 =	vld [tilespmem:$0x3980]  }
0xd1: {  	v0 =	vadd.f32 v42, v0;
	v43 =	vmul.f32 v2, v2;
	v1 =	vadd.f32 v2, v1  }
0xd2: {  	v2 =	vld [tilespmem:$0x3990]  }
0xd3: {  	v44 =	vmul.f32 v41, v41;
	v0 =	vadd.f32 v43, v0;
	v1 =	vadd.f32 v41, v1  }
0xd4: {  	v45 =	vld [tilespmem:$0x39A0]  }
0xd5: {  	v0 =	vadd.f32 v44, v0;
	v46 =	vmul.f32 v3, v3;
	v1 =	vadd.f32 v3, v1  }
0xd6: {  	v3 =	vld [tilespmem:$0x39B0]  }
0xd7: {  	v0 =	vadd.f32 v46, v0;
	v47 =	vmul.f32 v2, v2;
	v1 =	vadd.f32 v2, v1  }
0xd8: {  	v2 =	vld [tilespmem:$0x39C0]  }
0xd9: {  	v48 =	vmul.f32 v45, v45;
	v0 =	vadd.f32 v47, v0;
	v1 =	vadd.f32 v45, v1  }
0xda: {  	v49 =	vld [tilespmem:$0x39D0]  }
0xdb: {  	v0 =	vadd.f32 v48, v0;
	v50 =	vmul.f32 v3, v3;
	v1 =	vadd.f32 v3, v1  }
0xdc: {  	v3 =	vld [tilespmem:$0x39E0]  }
0xdd: {  	v0 =	vadd.f32 v50, v0;
	v51 =	vmul.f32 v2, v2;
	v1 =	vadd.f32 v2, v1  }
0xde: {  	v2 =	vld [tilespmem:$0x39F0]  }
0xdf: {  	v52 =	vmul.f32 v49, v49;
	v0 =	vadd.f32 v51, v0;
	v1 =	vadd.f32 v49, v1  }
0xe0: {  	v53 =	vld [tilespmem:$0x3A00]  }
0xe1: {  	v0 =	vadd.f32 v52, v0;
	v54 =	vmul.f32 v3, v3;
	v1 =	vadd.f32 v3, v1  }
0xe2: {  	v3 =	vld [tilespmem:$0x3A10]  }
0xe3: {  	v0 =	vadd.f32 v54, v0;
	v55 =	vmul.f32 v2, v2;
	v1 =	vadd.f32 v2, v1  }
0xe4: {  	v2 =	vld [tilespmem:$0x3A20]  }
0xe5: {  	v56 =	vmul.f32 v53, v53;
	v0 =	vadd.f32 v55, v0;
	v1 =	vadd.f32 v53, v1  }
0xe6: {  	v57 =	vld [tilespmem:$0x3A30]  }
0xe7: {  	v0 =	vadd.f32 v56, v0;
	v58 =	vmul.f32 v3, v3;
	v1 =	vadd.f32 v3, v1  }
0xe8: {  	v3 =	vld [tilespmem:$0x3A40]  }
0xe9: {  	v0 =	vadd.f32 v58, v0;
	v59 =	vmul.f32 v2, v2;
	v1 =	vadd.f32 v2, v1  }
0xea: {  	v2 =	vld [tilespmem:$0x3A50]  }
0xeb: {  	v60 =	vmul.f32 v57, v57;
	v0 =	vadd.f32 v59, v0;
	v1 =	vadd.f32 v57, v1  }
0xec: {  	v61 =	vld [tilespmem:$0x3A60]  }
0xed: {  	v0 =	vadd.f32 v60, v0;
	v62 =	vmul.f32 v3, v3;
	v1 =	vadd.f32 v3, v1  }
0xee: {  	v3 =	vld [tilespmem:$0x3A70]  }
0xef: {  	v0 =	vadd.f32 v62, v0;
	v63 =	vmul.f32 v2, v2;
	v1 =	vadd.f32 v2, v1;
	_ =	sdelay $0x1  }
0xf0: {  	v2 =	vmul.f32 v61, v61;
	v0 =	vadd.f32 v63, v0;
	v1 =	vadd.f32 v61, v1;
	_ =	sdelay $0x1  }
0xf1: {  	v0 =	vadd.f32 v2, v0;
	v2 =	vmul.f32 v3, v3;
	v1 =	vadd.f32 v3, v1;
	_ =	sdelay $0x1  }
0xf2: {  	v0 =	vadd.f32 v2, v0;
	v1 =	vmul.f32 v1, v1;
	_ =	sdelay $0x1  }
0xf3: {  	v0 =	vsub.f32 v1, v0;
	_ =	sdelay $0x1  }
0xf4: {  	s14 =	simm.s32 $0x1A0;
	s16 =	simm.s32 $0x340;
	v0 =	vmul.f32 $5.000000000e-01, v0  }
.LBB2_2:
0xf5: {  	s17 =	sshra.s32 s14, $0x2  }
0xf6: {  	s14 =	smov.u32 s16;
	s15 =	sadd.s32 $0x1A0, s16;
	[tilespmem:s13+$0x10] =	vst v0;
	s13 =	sadd.s32 $0x40, s13  }
0xf7: {  	[tilespmem:s9], [sflag:$0x1] =	stream.indirect.gather [hbm4b:s3+s8], $0x10, s17, s8, $0xb8;
	[tilespmem:$0x5A80] =	vst v63  }
0xf8: {  	p0 =	sne.s32 s16, $0xCE60;
	_ =	swait.ge [sflag:s10], $0x680  }
0xf9: {  	[sflag:s10] =	ssyncset.done $0x0  }
0xfa: {  	[sflag:s10] =	ssyncadd.s32 $0xFFFFF980  }
0xfb: {  	v0 =	vld [tilespmem:$0x3400];
	_ =	sdelay $0x1  }
0xfc: {  	v1 =	vld [tilespmem:$0x3410];
	_ =	sdelay $0x1  }
0xfd: {  	v2 =	vld [tilespmem:$0x3420]  }
0xfe: {  	v3 =	vadd.f32 $0.0e+00, v0  }
0xff: {  	v4 =	vld [tilespmem:$0x3430]  }
0x100: {  	v0 =	vmul.f32 v0, v0;
	v3 =	vadd.f32 v1, v3;
	v1 =	vmul.f32 v1, v1  }
0x101: {  	v5 =	vld [tilespmem:$0x3440]  }
0x102: {  	v0 =	vadd.f32 v1, v0;
	v1 =	vadd.f32 v2, v3;
	v2 =	vmul.f32 v2, v2  }
0x103: {  	v3 =	vld [tilespmem:$0x3450]  }
0x104: {  	v0 =	vadd.f32 v2, v0;
	v1 =	vadd.f32 v4, v1;
	v2 =	vmul.f32 v4, v4  }
0x105: {  	v4 =	vld [tilespmem:$0x3460]  }
0x106: {  	v0 =	vadd.f32 v2, v0;
	v1 =	vadd.f32 v5, v1;
	v2 =	vmul.f32 v5, v5  }
0x107: {  	v5 =	vld [tilespmem:$0x3470]  }
0x108: {  	v0 =	vadd.f32 v2, v0;
	v1 =	vadd.f32 v3, v1;
	v2 =	vmul.f32 v3, v3  }
0x109: {  	v3 =	vld [tilespmem:$0x3480]  }
0x10a: {  	v0 =	vadd.f32 v2, v0;
	v1 =	vadd.f32 v4, v1;
	v2 =	vmul.f32 v4, v4  }
0x10b: {  	v4 =	vld [tilespmem:$0x3490]  }
0x10c: {  	v0 =	vadd.f32 v2, v0;
	v1 =	vadd.f32 v5, v1;
	v2 =	vmul.f32 v5, v5  }
0x10d: {  	v5 =	vld [tilespmem:$0x34A0]  }
0x10e: {  	v0 =	vadd.f32 v2, v0;
	v1 =	vadd.f32 v3, v1;
	v2 =	vmul.f32 v3, v3  }
0x10f: {  	v3 =	vld [tilespmem:$0x34B0]  }
0x110: {  	v0 =	vadd.f32 v2, v0;
	v1 =	vadd.f32 v4, v1;
	v2 =	vmul.f32 v4, v4  }
0x111: {  	v4 =	vld [tilespmem:$0x34C0]  }
0x112: {  	v0 =	vadd.f32 v2, v0;
	v1 =	vadd.f32 v5, v1;
	v2 =	vmul.f32 v5, v5  }
0x113: {  	v5 =	vld [tilespmem:$0x34D0]  }
0x114: {  	v0 =	vadd.f32 v2, v0;
	v1 =	vadd.f32 v3, v1;
	v2 =	vmul.f32 v3, v3  }
0x115: {  	v3 =	vld [tilespmem:$0x34E0]  }
0x116: {  	v0 =	vadd.f32 v2, v0;
	v1 =	vadd.f32 v4, v1;
	v2 =	vmul.f32 v4, v4  }
0x117: {  	v4 =	vld [tilespmem:$0x34F0]  }
0x118: {  	v0 =	vadd.f32 v2, v0;
	v1 =	vadd.f32 v5, v1;
	v2 =	vmul.f32 v5, v5  }
0x119: {  	v5 =	vld [tilespmem:$0x3500]  }
0x11a: {  	v0 =	vadd.f32 v2, v0;
	v1 =	vadd.f32 v3, v1;
	v2 =	vmul.f32 v3, v3  }
0x11b: {  	v3 =	vld [tilespmem:$0x3510]  }
0x11c: {  	v0 =	vadd.f32 v2, v0;
	v1 =	vadd.f32 v4, v1;
	v2 =	vmul.f32 v4, v4  }
0x11d: {  	v4 =	vld [tilespmem:$0x3520]  }
0x11e: {  	v0 =	vadd.f32 v2, v0;
	v1 =	vadd.f32 v5, v1;
	v2 =	vmul.f32 v5, v5  }
0x11f: {  	v5 =	vld [tilespmem:$0x3530]  }
0x120: {  	v0 =	vadd.f32 v2, v0;
	v1 =	vadd.f32 v3, v1;
	v2 =	vmul.f32 v3, v3  }
0x121: {  	v3 =	vld [tilespmem:$0x3540]  }
0x122: {  	v0 =	vadd.f32 v2, v0;
	v1 =	vadd.f32 v4, v1;
	v2 =	vmul.f32 v4, v4  }
0x123: {  	v4 =	vld [tilespmem:$0x3550]  }
0x124: {  	v0 =	vadd.f32 v2, v0;
	v1 =	vadd.f32 v5, v1;
	v2 =	vmul.f32 v5, v5  }
0x125: {  	v5 =	vld [tilespmem:$0x3560]  }
0x126: {  	v0 =	vadd.f32 v2, v0;
	v1 =	vadd.f32 v3, v1;
	v2 =	vmul.f32 v3, v3  }
0x127: {  	v3 =	vld [tilespmem:$0x3570]  }
0x128: {  	v0 =	vadd.f32 v2, v0;
	v1 =	vadd.f32 v4, v1;
	v2 =	vmul.f32 v4, v4  }
0x129: {  	v4 =	vld [tilespmem:$0x3580]  }
0x12a: {  	v0 =	vadd.f32 v2, v0;
	v1 =	vadd.f32 v5, v1;
	v2 =	vmul.f32 v5, v5  }
0x12b: {  	v5 =	vld [tilespmem:$0x3590]  }
0x12c: {  	v0 =	vadd.f32 v2, v0;
	v1 =	vadd.f32 v3, v1;
	v2 =	vmul.f32 v3, v3;
	_ =	sdelay $0x1  }
0x12d: {  	v0 =	vadd.f32 v2, v0;
	v1 =	vadd.f32 v4, v1;
	v2 =	vmul.f32 v4, v4;
	_ =	sdelay $0x1  }
0x12e: {  	v0 =	vadd.f32 v2, v0;
	v1 =	vadd.f32 v5, v1;
	v2 =	vmul.f32 v5, v5;
	_ =	sdelay $0x1  }
0x12f: {  	v0 =	vadd.f32 v2, v0;
	v1 =	vmul.f32 v1, v1;
	_ =	sdelay $0x1  }
0x130: {  	v0 =	vsub.f32 v1, v0;
	_ =	sdelay $0x1  }
0x131: {  	v0 =	vmul.f32 $5.000000000e-01, v0;
	_ =	sdelay $0x1  }
0x132: {  	[tilespmem:s13+$0xFFFFFFE0] =	vst v0  }
0x133: {  	v0 =	vld [tilespmem:$0x35A0];
	_ =	sdelay $0x1  }
0x134: {  	v1 =	vld [tilespmem:$0x35B0];
	_ =	sdelay $0x1  }
0x135: {  	v2 =	vld [tilespmem:$0x35C0]  }
0x136: {  	v3 =	vadd.f32 $0.0e+00, v0;
	v0 =	vmul.f32 v0, v0  }
0x137: {  	v4 =	vld [tilespmem:$0x35D0]  }
0x138: {  	v3 =	vadd.f32 v1, v3;
	v1 =	vmul.f32 v1, v1  }
0x139: {  	v5 =	vld [tilespmem:$0x35E0]  }
0x13a: {  	v0 =	vadd.f32 v1, v0;
	v1 =	vadd.f32 v2, v3;
	v2 =	vmul.f32 v2, v2  }
0x13b: {  	v3 =	vld [tilespmem:$0x35F0]  }
0x13c: {  	v0 =	vadd.f32 v2, v0;
	v1 =	vadd.f32 v4, v1;
	v2 =	vmul.f32 v4, v4  }
0x13d: {  	v4 =	vld [tilespmem:$0x3600]  }
0x13e: {  	v0 =	vadd.f32 v2, v0;
	v1 =	vadd.f32 v5, v1;
	v2 =	vmul.f32 v5, v5  }
0x13f: {  	v5 =	vld [tilespmem:$0x3610]  }
0x140: {  	v0 =	vadd.f32 v2, v0;
	v1 =	vadd.f32 v3, v1;
	v2 =	vmul.f32 v3, v3  }
0x141: {  	v3 =	vld [tilespmem:$0x3620]  }
0x142: {  	v0 =	vadd.f32 v2, v0;
	v1 =	vadd.f32 v4, v1;
	v2 =	vmul.f32 v4, v4  }
0x143: {  	v4 =	vld [tilespmem:$0x3630]  }
0x144: {  	v0 =	vadd.f32 v2, v0;
	v1 =	vadd.f32 v5, v1;
	v2 =	vmul.f32 v5, v5  }
0x145: {  	v5 =	vld [tilespmem:$0x3640]  }
0x146: {  	v0 =	vadd.f32 v2, v0;
	v1 =	vadd.f32 v3, v1;
	v2 =	vmul.f32 v3, v3  }
0x147: {  	v3 =	vld [tilespmem:$0x3650]  }
0x148: {  	v0 =	vadd.f32 v2, v0;
	v1 =	vadd.f32 v4, v1;
	v2 =	vmul.f32 v4, v4  }
0x149: {  	v4 =	vld [tilespmem:$0x3660]  }
0x14a: {  	v0 =	vadd.f32 v2, v0;
	v1 =	vadd.f32 v5, v1;
	v2 =	vmul.f32 v5, v5  }
0x14b: {  	v5 =	vld [tilespmem:$0x3670]  }
0x14c: {  	v0 =	vadd.f32 v2, v0;
	v1 =	vadd.f32 v3, v1;
	v2 =	vmul.f32 v3, v3  }
0x14d: {  	v3 =	vld [tilespmem:$0x3680]  }
0x14e: {  	v0 =	vadd.f32 v2, v0;
	v1 =	vadd.f32 v4, v1;
	v2 =	vmul.f32 v4, v4  }
0x14f: {  	v4 =	vld [tilespmem:$0x3690]  }
0x150: {  	v0 =	vadd.f32 v2, v0;
	v1 =	vadd.f32 v5, v1;
	v2 =	vmul.f32 v5, v5  }
0x151: {  	v5 =	vld [tilespmem:$0x36A0]  }
0x152: {  	v0 =	vadd.f32 v2, v0;
	v1 =	vadd.f32 v3, v1;
	v2 =	vmul.f32 v3, v3  }
0x153: {  	v3 =	vld [tilespmem:$0x36B0]  }
0x154: {  	v0 =	vadd.f32 v2, v0;
	v1 =	vadd.f32 v4, v1;
	v2 =	vmul.f32 v4, v4  }
0x155: {  	v4 =	vld [tilespmem:$0x36C0]  }
0x156: {  	v0 =	vadd.f32 v2, v0;
	v1 =	vadd.f32 v5, v1;
	v2 =	vmul.f32 v5, v5  }
0x157: {  	v5 =	vld [tilespmem:$0x36D0]  }
0x158: {  	v0 =	vadd.f32 v2, v0;
	v1 =	vadd.f32 v3, v1;
	v2 =	vmul.f32 v3, v3  }
0x159: {  	v3 =	vld [tilespmem:$0x36E0]  }
0x15a: {  	v0 =	vadd.f32 v2, v0;
	v1 =	vadd.f32 v4, v1;
	v2 =	vmul.f32 v4, v4  }
0x15b: {  	v4 =	vld [tilespmem:$0x36F0]  }
0x15c: {  	v0 =	vadd.f32 v2, v0;
	v1 =	vadd.f32 v5, v1;
	v2 =	vmul.f32 v5, v5  }
0x15d: {  	v5 =	vld [tilespmem:$0x3700]  }
0x15e: {  	v0 =	vadd.f32 v2, v0;
	v1 =	vadd.f32 v3, v1;
	v2 =	vmul.f32 v3, v3  }
0x15f: {  	v3 =	vld [tilespmem:$0x3710]  }
0x160: {  	v0 =	vadd.f32 v2, v0;
	v1 =	vadd.f32 v4, v1;
	v2 =	vmul.f32 v4, v4  }
0x161: {  	v4 =	vld [tilespmem:$0x3720]  }
0x162: {  	v0 =	vadd.f32 v2, v0;
	v1 =	vadd.f32 v5, v1;
	v2 =	vmul.f32 v5, v5  }
0x163: {  	v5 =	vld [tilespmem:$0x3730]  }
0x164: {  	v0 =	vadd.f32 v2, v0;
	v1 =	vadd.f32 v3, v1;
	v2 =	vmul.f32 v3, v3;
	_ =	sdelay $0x1  }
0x165: {  	v0 =	vadd.f32 v2, v0;
	v1 =	vadd.f32 v4, v1;
	v2 =	vmul.f32 v4, v4;
	_ =	sdelay $0x1  }
0x166: {  	v0 =	vadd.f32 v2, v0;
	v1 =	vadd.f32 v5, v1;
	v2 =	vmul.f32 v5, v5;
	_ =	sdelay $0x1  }
0x167: {  	v0 =	vadd.f32 v2, v0;
	v1 =	vmul.f32 v1, v1;
	_ =	sdelay $0x1  }
0x168: {  	v0 =	vsub.f32 v1, v0;
	_ =	sdelay $0x1  }
0x169: {  	v0 =	vmul.f32 $5.000000000e-01, v0;
	_ =	sdelay $0x1  }
0x16a: {  	[tilespmem:s13+$0xFFFFFFF0] =	vst v0  }
0x16b: {  	v0 =	vld [tilespmem:$0x3740]  }
0x16c: {  	v1 =	vld [tilespmem:$0x3750]  }
0x16d: {  	v2 =	vld [tilespmem:$0x3760]  }
0x16e: {  	v3 =	vld [tilespmem:$0x3770]  }
0x16f: {  	v4 =	vld [tilespmem:$0x3780]  }
0x170: {  	v5 =	vadd.f32 $0.0e+00, v0;
	v0 =	vmul.f32 v0, v0;
	v6 =	vld [tilespmem:$0x3790]  }
0x171: {  	v7 =	vmul.f32 v1, v1;
	v8 =	vld [tilespmem:$0x37A0]  }
0x172: {  	v1 =	vadd.f32 v1, v5;
	v5 =	vld [tilespmem:$0x37B0]  }
0x173: {  	v0 =	vadd.f32 v7, v0;
	v7 =	vmul.f32 v2, v2;
	v9 =	vld [tilespmem:$0x37C0]  }
0x174: {  	v1 =	vadd.f32 v2, v1;
	v2 =	vld [tilespmem:$0x37D0]  }
0x175: {  	v0 =	vadd.f32 v7, v0;
	v7 =	vmul.f32 v3, v3;
	v10 =	vld [tilespmem:$0x37E0]  }
0x176: {  	v1 =	vadd.f32 v3, v1;
	v3 =	vld [tilespmem:$0x37F0]  }
0x177: {  	v0 =	vadd.f32 v7, v0;
	v7 =	vmul.f32 v4, v4;
	v11 =	vld [tilespmem:$0x3800]  }
0x178: {  	v1 =	vadd.f32 v4, v1;
	v4 =	vld [tilespmem:$0x3810]  }
0x179: {  	v0 =	vadd.f32 v7, v0;
	v7 =	vmul.f32 v6, v6;
	v12 =	vld [tilespmem:$0x3820]  }
0x17a: {  	v1 =	vadd.f32 v6, v1;
	v6 =	vld [tilespmem:$0x3830]  }
0x17b: {  	v0 =	vadd.f32 v7, v0;
	v7 =	vmul.f32 v8, v8;
	v13 =	vld [tilespmem:$0x3840]  }
0x17c: {  	v1 =	vadd.f32 v8, v1;
	v8 =	vld [tilespmem:$0x3850]  }
0x17d: {  	v0 =	vadd.f32 v7, v0;
	v7 =	vmul.f32 v5, v5;
	v14 =	vld [tilespmem:$0x3860]  }
0x17e: {  	v1 =	vadd.f32 v5, v1;
	v5 =	vld [tilespmem:$0x3870]  }
0x17f: {  	v0 =	vadd.f32 v7, v0;
	v7 =	vmul.f32 v9, v9;
	v15 =	vld [tilespmem:$0x3880]  }
0x180: {  	v1 =	vadd.f32 v9, v1;
	v9 =	vld [tilespmem:$0x3890]  }
0x181: {  	v0 =	vadd.f32 v7, v0;
	v7 =	vmul.f32 v2, v2;
	v16 =	vld [tilespmem:$0x38A0]  }
0x182: {  	v1 =	vadd.f32 v2, v1;
	v2 =	vld [tilespmem:$0x38B0]  }
0x183: {  	v0 =	vadd.f32 v7, v0;
	v7 =	vmul.f32 v10, v10;
	v17 =	vld [tilespmem:$0x38C0]  }
0x184: {  	v1 =	vadd.f32 v10, v1;
	v10 =	vld [tilespmem:$0x38D0]  }
0x185: {  	v0 =	vadd.f32 v7, v0;
	v7 =	vmul.f32 v3, v3  }
0x186: {  	v1 =	vadd.f32 v3, v1  }
0x187: {  	v3 =	vmul.f32 v11, v11;
	v0 =	vadd.f32 v7, v0  }
0x188: {  	v1 =	vadd.f32 v11, v1  }
0x189: {  	v0 =	vadd.f32 v3, v0;
	v3 =	vmul.f32 v4, v4  }
0x18a: {  	v1 =	vadd.f32 v4, v1  }
0x18b: {  	v0 =	vadd.f32 v3, v0;
	v3 =	vmul.f32 v12, v12  }
0x18c: {  	v1 =	vadd.f32 v12, v1  }
0x18d: {  	v0 =	vadd.f32 v3, v0;
	v3 =	vmul.f32 v6, v6  }
0x18e: {  	v1 =	vadd.f32 v6, v1  }
0x18f: {  	v0 =	vadd.f32 v3, v0;
	v3 =	vmul.f32 v13, v13  }
0x190: {  	v1 =	vadd.f32 v13, v1  }
0x191: {  	v0 =	vadd.f32 v3, v0;
	v3 =	vmul.f32 v8, v8  }
0x192: {  	v1 =	vadd.f32 v8, v1  }
0x193: {  	v0 =	vadd.f32 v3, v0;
	v3 =	vmul.f32 v14, v14  }
0x194: {  	v1 =	vadd.f32 v14, v1  }
0x195: {  	v0 =	vadd.f32 v3, v0;
	v3 =	vmul.f32 v5, v5  }
0x196: {  	v1 =	vadd.f32 v5, v1  }
0x197: {  	v0 =	vadd.f32 v3, v0;
	v3 =	vmul.f32 v15, v15  }
0x198: {  	v1 =	vadd.f32 v15, v1  }
0x199: {  	v0 =	vadd.f32 v3, v0;
	v3 =	vmul.f32 v9, v9  }
0x19a: {  	v1 =	vadd.f32 v9, v1  }
0x19b: {  	v0 =	vadd.f32 v3, v0;
	v3 =	vmul.f32 v16, v16  }
0x19c: {  	v1 =	vadd.f32 v16, v1  }
0x19d: {  	v0 =	vadd.f32 v3, v0;
	v3 =	vmul.f32 v2, v2  }
0x19e: {  	v1 =	vadd.f32 v2, v1  }
0x19f: {  	v2 =	vmul.f32 v17, v17;
	v0 =	vadd.f32 v3, v0  }
0x1a0: {  	v1 =	vadd.f32 v17, v1  }
0x1a1: {  	v0 =	vadd.f32 v2, v0  }
0x1a2: {  	v2 =	vmul.f32 v10, v10;
	v1 =	vadd.f32 v10, v1;
	_ =	sdelay $0x1  }
0x1a3: {  	v0 =	vadd.f32 v2, v0;
	v1 =	vmul.f32 v1, v1;
	_ =	sdelay $0x1  }
0x1a4: {  	v0 =	vsub.f32 v1, v0;
	_ =	sdelay $0x1  }
0x1a5: {  	v0 =	vmul.f32 $5.000000000e-01, v0;
	_ =	sdelay $0x1  }
0x1a6: {  	[tilespmem:s13+$0x0] =	vst v0  }
0x1a7: {  	v0 =	vld [tilespmem:$0x38E0]  }
0x1a8: {  	v1 =	vld [tilespmem:$0x38F0]  }
0x1a9: {  	v2 =	vld [tilespmem:$0x3900]  }
0x1aa: {  	v3 =	vld [tilespmem:$0x3910]  }
0x1ab: {  	v4 =	vld [tilespmem:$0x3920]  }
0x1ac: {  	v5 =	vadd.f32 $0.0e+00, v0;
	v0 =	vmul.f32 v0, v0;
	v6 =	vld [tilespmem:$0x3930]  }
0x1ad: {  	v7 =	vmul.f32 v1, v1;
	v8 =	vld [tilespmem:$0x3940]  }
0x1ae: {  	v1 =	vadd.f32 v1, v5;
	v5 =	vld [tilespmem:$0x3950]  }
0x1af: {  	v0 =	vadd.f32 v7, v0;
	v7 =	vmul.f32 v2, v2;
	v9 =	vld [tilespmem:$0x3960]  }
0x1b0: {  	v1 =	vadd.f32 v2, v1;
	v2 =	vld [tilespmem:$0x3970]  }
0x1b1: {  	v0 =	vadd.f32 v7, v0;
	v7 =	vmul.f32 v3, v3;
	v10 =	vld [tilespmem:$0x3980]  }
0x1b2: {  	v1 =	vadd.f32 v3, v1;
	v3 =	vld [tilespmem:$0x3990]  }
0x1b3: {  	v0 =	vadd.f32 v7, v0;
	v7 =	vmul.f32 v4, v4;
	v11 =	vld [tilespmem:$0x39A0]  }
0x1b4: {  	v1 =	vadd.f32 v4, v1;
	v4 =	vld [tilespmem:$0x39B0]  }
0x1b5: {  	v0 =	vadd.f32 v7, v0;
	v7 =	vmul.f32 v6, v6;
	v12 =	vld [tilespmem:$0x39C0]  }
0x1b6: {  	v1 =	vadd.f32 v6, v1;
	v6 =	vld [tilespmem:$0x39D0]  }
0x1b7: {  	v0 =	vadd.f32 v7, v0;
	v7 =	vmul.f32 v8, v8;
	v13 =	vld [tilespmem:$0x39E0]  }
0x1b8: {  	v1 =	vadd.f32 v8, v1;
	v8 =	vld [tilespmem:$0x39F0]  }
0x1b9: {  	v0 =	vadd.f32 v7, v0;
	v7 =	vmul.f32 v5, v5;
	v14 =	vld [tilespmem:$0x3A00]  }
0x1ba: {  	v1 =	vadd.f32 v5, v1;
	v5 =	vld [tilespmem:$0x3A10]  }
0x1bb: {  	v0 =	vadd.f32 v7, v0;
	v7 =	vmul.f32 v9, v9;
	v15 =	vld [tilespmem:$0x3A20]  }
0x1bc: {  	v1 =	vadd.f32 v9, v1;
	v9 =	vld [tilespmem:$0x3A30]  }
0x1bd: {  	v0 =	vadd.f32 v7, v0;
	v7 =	vmul.f32 v2, v2;
	v16 =	vld [tilespmem:$0x3A40]  }
0x1be: {  	v1 =	vadd.f32 v2, v1;
	v2 =	vld [tilespmem:$0x3A50]  }
0x1bf: {  	v0 =	vadd.f32 v7, v0;
	v7 =	vmul.f32 v10, v10;
	v17 =	vld [tilespmem:$0x3A60]  }
0x1c0: {  	v1 =	vadd.f32 v10, v1;
	v10 =	vld [tilespmem:$0x3A70]  }
0x1c1: {  	v0 =	vadd.f32 v7, v0;
	v7 =	vmul.f32 v3, v3  }
0x1c2: {  	v1 =	vadd.f32 v3, v1  }
0x1c3: {  	v3 =	vmul.f32 v11, v11;
	v0 =	vadd.f32 v7, v0  }
0x1c4: {  	v1 =	vadd.f32 v11, v1  }
0x1c5: {  	v0 =	vadd.f32 v3, v0;
	v3 =	vmul.f32 v4, v4  }
0x1c6: {  	v1 =	vadd.f32 v4, v1  }
0x1c7: {  	v0 =	vadd.f32 v3, v0;
	v3 =	vmul.f32 v12, v12  }
0x1c8: {  	v1 =	vadd.f32 v12, v1  }
0x1c9: {  	v0 =	vadd.f32 v3, v0;
	v3 =	vmul.f32 v6, v6  }
0x1ca: {  	v1 =	vadd.f32 v6, v1  }
0x1cb: {  	v0 =	vadd.f32 v3, v0;
	v3 =	vmul.f32 v13, v13  }
0x1cc: {  	v1 =	vadd.f32 v13, v1  }
0x1cd: {  	v0 =	vadd.f32 v3, v0;
	v3 =	vmul.f32 v8, v8  }
0x1ce: {  	v1 =	vadd.f32 v8, v1  }
0x1cf: {  	v0 =	vadd.f32 v3, v0;
	v3 =	vmul.f32 v14, v14  }
0x1d0: {  	v1 =	vadd.f32 v14, v1  }
0x1d1: {  	v0 =	vadd.f32 v3, v0;
	v3 =	vmul.f32 v5, v5  }
0x1d2: {  	v1 =	vadd.f32 v5, v1  }
0x1d3: {  	v0 =	vadd.f32 v3, v0;
	v3 =	vmul.f32 v15, v15  }
0x1d4: {  	v1 =	vadd.f32 v15, v1  }
0x1d5: {  	v0 =	vadd.f32 v3, v0;
	v3 =	vmul.f32 v9, v9  }
0x1d6: {  	v1 =	vadd.f32 v9, v1  }
0x1d7: {  	v0 =	vadd.f32 v3, v0;
	v3 =	vmul.f32 v16, v16  }
0x1d8: {  	v1 =	vadd.f32 v16, v1  }
0x1d9: {  	v0 =	vadd.f32 v3, v0;
	v3 =	vmul.f32 v2, v2  }
0x1da: {  	v1 =	vadd.f32 v2, v1  }
0x1db: {  	v2 =	vmul.f32 v17, v17;
	v0 =	vadd.f32 v3, v0  }
0x1dc: {  	v1 =	vadd.f32 v17, v1  }
0x1dd: {  	v0 =	vadd.f32 v2, v0  }
0x1de: {  	v2 =	vmul.f32 v10, v10;
	v1 =	vadd.f32 v10, v1;
	_ =	sdelay $0x1  }
.Ltmp0:
0x1df: {  	v0 =	vadd.f32 v2, v0;
	v1 =	vmul.f32 v1, v1;
	(pc) =	sbr.rel @p0 .LBB2_2-.Ltmp0, $3  }
0x1e0: {  	_ = 	snop  }
0x1e1: {  	v0 =	vsub.f32 v1, v0;
	_ =	sdelay $0x1  }
0x1e2: {  	s16 =	smov.u32 s15;
	v0 =	vmul.f32 $5.000000000e-01, v0  }
0x1e3: {  	_ = 	snop  }
0x1e4: {  	s14 =	sshra.s32 s14, $0x2;
	[tilespmem:s13+$0x10] =	vst v0  }
0x1e5: {  	[tilespmem:s9], [sflag:$0x1] =	stream.indirect.gather [hbm4b:s3+s8], $0x10, s14, s8, $0xb8;
	[tilespmem:$0x5A80] =	vst v63  }
0x1e6: {  	_ =	swait.ge [sflag:s10], $0x680  }
0x1e7: {  	[sflag:s10] =	ssyncset.done $0x0  }
0x1e8: {  	[sflag:s10] =	ssyncadd.s32 $0xFFFFF980  }
0x1e9: {  	v34 =	vld [tilespmem:$0x3400];
	_ =	sdelay $0x1  }
0x1ea: {  	v1 =	vld [tilespmem:$0x3410];
	_ =	sdelay $0x1  }
0x1eb: {  	v2 =	vld [tilespmem:$0x3420]  }
0x1ec: {  	v3 =	vadd.f32 $0.0e+00, v34  }
0x1ed: {  	v4 =	vld [tilespmem:$0x3430]  }
0x1ee: {  	v0 =	vmul.f32 v34, v34;
	v3 =	vadd.f32 v1, v3;
	v1 =	vmul.f32 v1, v1  }
0x1ef: {  	v5 =	vld [tilespmem:$0x3440]  }
0x1f0: {  	v0 =	vadd.f32 v1, v0;
	v35 =	vadd.f32 v2, v3;
	v2 =	vmul.f32 v2, v2  }
0x1f1: {  	v36 =	vld [tilespmem:$0x3450]  }
0x1f2: {  	v37 =	vmul.f32 v4, v4;
	v0 =	vadd.f32 v2, v0;
	v1 =	vadd.f32 v4, v35  }
0x1f3: {  	v38 =	vld [tilespmem:$0x3460]  }
0x1f4: {  	v39 =	vmul.f32 v5, v5;
	v0 =	vadd.f32 v37, v0;
	v1 =	vadd.f32 v5, v1  }
0x1f5: {  	v40 =	vld [tilespmem:$0x3470]  }
0x1f6: {  	v41 =	vmul.f32 v36, v36;
	v0 =	vadd.f32 v39, v0;
	v1 =	vadd.f32 v36, v1  }
0x1f7: {  	v42 =	vld [tilespmem:$0x3480]  }
0x1f8: {  	v43 =	vmul.f32 v38, v38;
	v0 =	vadd.f32 v41, v0;
	v1 =	vadd.f32 v38, v1  }
0x1f9: {  	v44 =	vld [tilespmem:$0x3490]  }
0x1fa: {  	v45 =	vmul.f32 v40, v40;
	v0 =	vadd.f32 v43, v0;
	v1 =	vadd.f32 v40, v1  }
0x1fb: {  	v46 =	vld [tilespmem:$0x34A0]  }
0x1fc: {  	v47 =	vmul.f32 v42, v42;
	v0 =	vadd.f32 v45, v0;
	v1 =	vadd.f32 v42, v1  }
0x1fd: {  	v48 =	vld [tilespmem:$0x34B0]  }
0x1fe: {  	v49 =	vmul.f32 v44, v44;
	v0 =	vadd.f32 v47, v0;
	v1 =	vadd.f32 v44, v1  }
0x1ff: {  	v50 =	vld [tilespmem:$0x34C0]  }
0x200: {  	v51 =	vmul.f32 v46, v46;
	v0 =	vadd.f32 v49, v0;
	v1 =	vadd.f32 v46, v1  }
0x201: {  	v52 =	vld [tilespmem:$0x34D0]  }
0x202: {  	v53 =	vmul.f32 v48, v48;
	v0 =	vadd.f32 v51, v0;
	v1 =	vadd.f32 v48, v1  }
0x203: {  	v54 =	vld [tilespmem:$0x34E0]  }
0x204: {  	v55 =	vmul.f32 v50, v50;
	v0 =	vadd.f32 v53, v0;
	v1 =	vadd.f32 v50, v1  }
0x205: {  	v56 =	vld [tilespmem:$0x34F0]  }
0x206: {  	v57 =	vmul.f32 v52, v52;
	v0 =	vadd.f32 v55, v0;
	v1 =	vadd.f32 v52, v1  }
0x207: {  	v58 =	vld [tilespmem:$0x3500]  }
0x208: {  	v59 =	vmul.f32 v54, v54;
	v0 =	vadd.f32 v57, v0;
	v1 =	vadd.f32 v54, v1  }
0x209: {  	v60 =	vld [tilespmem:$0x3510]  }
0x20a: {  	v61 =	vmul.f32 v56, v56;
	v0 =	vadd.f32 v59, v0;
	v1 =	vadd.f32 v56, v1  }
0x20b: {  	v62 =	vld [tilespmem:$0x3520]  }
0x20c: {  	v63 =	vmul.f32 v58, v58;
	v0 =	vadd.f32 v61, v0;
	v1 =	vadd.f32 v58, v1  }
0x20d: {  	v8 =	vld [tilespmem:$0x3530]  }
0x20e: {  	v9 =	vmul.f32 v60, v60;
	v0 =	vadd.f32 v63, v0;
	v1 =	vadd.f32 v60, v1  }
0x20f: {  	v10 =	vld [tilespmem:$0x3540]  }
0x210: {  	v11 =	vmul.f32 v62, v62;
	v0 =	vadd.f32 v9, v0;
	v1 =	vadd.f32 v62, v1  }
0x211: {  	v12 =	vld [tilespmem:$0x3550]  }
0x212: {  	v13 =	vmul.f32 v8, v8;
	v0 =	vadd.f32 v11, v0;
	v1 =	vadd.f32 v8, v1  }
0x213: {  	v14 =	vld [tilespmem:$0x3560]  }
0x214: {  	v15 =	vmul.f32 v10, v10;
	v0 =	vadd.f32 v13, v0;
	v1 =	vadd.f32 v10, v1  }
0x215: {  	v16 =	vld [tilespmem:$0x3570]  }
0x216: {  	v17 =	vmul.f32 v12, v12;
	v0 =	vadd.f32 v15, v0;
	v1 =	vadd.f32 v12, v1  }
0x217: {  	v18 =	vld [tilespmem:$0x3580]  }
0x218: {  	v19 =	vmul.f32 v14, v14;
	v0 =	vadd.f32 v17, v0;
	v1 =	vadd.f32 v14, v1  }
0x219: {  	v20 =	vld [tilespmem:$0x3590]  }
0x21a: {  	v21 =	vmul.f32 v16, v16;
	v0 =	vadd.f32 v19, v0;
	v1 =	vadd.f32 v16, v1;
	_ =	sdelay $0x1  }
0x21b: {  	v22 =	vmul.f32 v18, v18;
	v0 =	vadd.f32 v21, v0;
	v1 =	vadd.f32 v18, v1;
	_ =	sdelay $0x1  }
0x21c: {  	v23 =	vmul.f32 v20, v20;
	v0 =	vadd.f32 v22, v0;
	v1 =	vadd.f32 v20, v1;
	_ =	sdelay $0x1  }
0x21d: {  	v0 =	vadd.f32 v23, v0;
	v1 =	vmul.f32 v1, v1;
	_ =	sdelay $0x1  }
0x21e: {  	v0 =	vsub.f32 v1, v0;
	_ =	sdelay $0x1  }
0x21f: {  	v0 =	vmul.f32 $5.000000000e-01, v0  }
0x220: {  	s31 =	sadd.s32 $0x40, s13  }
0x221: {  	[tilespmem:s31+$0xFFFFFFE0] =	vst v0  }
0x222: {  	v0 =	vld [tilespmem:$0x35A0];
	_ =	sdelay $0x1  }
0x223: {  	v24 =	vld [tilespmem:$0x35B0];
	_ =	sdelay $0x1  }
0x224: {  	v25 =	vld [tilespmem:$0x35C0]  }
0x225: {  	v26 =	vadd.f32 $0.0e+00, v0  }
0x226: {  	v27 =	vld [tilespmem:$0x35D0]  }
0x227: {  	v0 =	vmul.f32 v0, v0;
	v1 =	vmul.f32 v24, v24;
	v3 =	vadd.f32 v24, v26  }
0x228: {  	v28 =	vld [tilespmem:$0x35E0]  }
0x229: {  	v2 =	vmul.f32 v25, v25;
	v0 =	vadd.f32 v1, v0;
	v29 =	vadd.f32 v25, v3  }
0x22a: {  	v30 =	vld [tilespmem:$0x35F0]  }
0x22b: {  	v31 =	vmul.f32 v27, v27;
	v0 =	vadd.f32 v2, v0;
	v1 =	vadd.f32 v27, v29  }
0x22c: {  	v32 =	vld [tilespmem:$0x3600]  }
0x22d: {  	v33 =	vmul.f32 v28, v28;
	v0 =	vadd.f32 v31, v0;
	v1 =	vadd.f32 v28, v1  }
0x22e: {  	v34 =	vld [tilespmem:$0x3610]  }
0x22f: {  	v35 =	vmul.f32 v30, v30;
	v0 =	vadd.f32 v33, v0;
	v1 =	vadd.f32 v30, v1  }
0x230: {  	v36 =	vld [tilespmem:$0x3620]  }
0x231: {  	v37 =	vmul.f32 v32, v32;
	v0 =	vadd.f32 v35, v0;
	v1 =	vadd.f32 v32, v1  }
0x232: {  	v38 =	vld [tilespmem:$0x3630]  }
0x233: {  	v39 =	vmul.f32 v34, v34;
	v0 =	vadd.f32 v37, v0;
	v1 =	vadd.f32 v34, v1  }
0x234: {  	v40 =	vld [tilespmem:$0x3640]  }
0x235: {  	v41 =	vmul.f32 v36, v36;
	v0 =	vadd.f32 v39, v0;
	v1 =	vadd.f32 v36, v1  }
0x236: {  	v42 =	vld [tilespmem:$0x3650]  }
0x237: {  	v43 =	vmul.f32 v38, v38;
	v0 =	vadd.f32 v41, v0;
	v1 =	vadd.f32 v38, v1  }
0x238: {  	v44 =	vld [tilespmem:$0x3660]  }
0x239: {  	v45 =	vmul.f32 v40, v40;
	v0 =	vadd.f32 v43, v0;
	v1 =	vadd.f32 v40, v1  }
0x23a: {  	v46 =	vld [tilespmem:$0x3670]  }
0x23b: {  	v47 =	vmul.f32 v42, v42;
	v0 =	vadd.f32 v45, v0;
	v1 =	vadd.f32 v42, v1  }
0x23c: {  	v48 =	vld [tilespmem:$0x3680]  }
0x23d: {  	v49 =	vmul.f32 v44, v44;
	v0 =	vadd.f32 v47, v0;
	v1 =	vadd.f32 v44, v1  }
0x23e: {  	v50 =	vld [tilespmem:$0x3690]  }
0x23f: {  	v51 =	vmul.f32 v46, v46;
	v0 =	vadd.f32 v49, v0;
	v1 =	vadd.f32 v46, v1  }
0x240: {  	v52 =	vld [tilespmem:$0x36A0]  }
0x241: {  	v53 =	vmul.f32 v48, v48;
	v0 =	vadd.f32 v51, v0;
	v1 =	vadd.f32 v48, v1  }
0x242: {  	v54 =	vld [tilespmem:$0x36B0]  }
0x243: {  	v55 =	vmul.f32 v50, v50;
	v0 =	vadd.f32 v53, v0;
	v1 =	vadd.f32 v50, v1  }
0x244: {  	v56 =	vld [tilespmem:$0x36C0]  }
0x245: {  	v57 =	vmul.f32 v52, v52;
	v0 =	vadd.f32 v55, v0;
	v1 =	vadd.f32 v52, v1  }
0x246: {  	v58 =	vld [tilespmem:$0x36D0]  }
0x247: {  	v59 =	vmul.f32 v54, v54;
	v0 =	vadd.f32 v57, v0;
	v1 =	vadd.f32 v54, v1  }
0x248: {  	v60 =	vld [tilespmem:$0x36E0]  }
0x249: {  	v61 =	vmul.f32 v56, v56;
	v0 =	vadd.f32 v59, v0;
	v1 =	vadd.f32 v56, v1  }
0x24a: {  	v62 =	vld [tilespmem:$0x36F0]  }
0x24b: {  	v63 =	vmul.f32 v58, v58;
	v0 =	vadd.f32 v61, v0;
	v1 =	vadd.f32 v58, v1  }
0x24c: {  	v8 =	vld [tilespmem:$0x3700]  }
0x24d: {  	v9 =	vmul.f32 v60, v60;
	v0 =	vadd.f32 v63, v0;
	v1 =	vadd.f32 v60, v1  }
0x24e: {  	v10 =	vld [tilespmem:$0x3710]  }
0x24f: {  	v11 =	vmul.f32 v62, v62;
	v0 =	vadd.f32 v9, v0;
	v1 =	vadd.f32 v62, v1  }
0x250: {  	v12 =	vld [tilespmem:$0x3720]  }
0x251: {  	v13 =	vmul.f32 v8, v8;
	v0 =	vadd.f32 v11, v0;
	v1 =	vadd.f32 v8, v1  }
0x252: {  	v14 =	vld [tilespmem:$0x3730]  }
0x253: {  	v15 =	vmul.f32 v10, v10;
	v0 =	vadd.f32 v13, v0;
	v1 =	vadd.f32 v10, v1;
	_ =	sdelay $0x1  }
0x254: {  	v16 =	vmul.f32 v12, v12;
	v0 =	vadd.f32 v15, v0;
	v1 =	vadd.f32 v12, v1;
	_ =	sdelay $0x1  }
0x255: {  	v17 =	vmul.f32 v14, v14;
	v0 =	vadd.f32 v16, v0;
	v1 =	vadd.f32 v14, v1;
	_ =	sdelay $0x1  }
0x256: {  	v0 =	vadd.f32 v17, v0;
	v1 =	vmul.f32 v1, v1;
	_ =	sdelay $0x1  }
0x257: {  	v0 =	vsub.f32 v1, v0;
	_ =	sdelay $0x1  }
0x258: {  	v0 =	vmul.f32 $5.000000000e-01, v0;
	_ =	sdelay $0x1  }
0x259: {  	[tilespmem:s31+$0xFFFFFFF0] =	vst v0  }
0x25a: {  	v0 =	vld [tilespmem:$0x3740];
	_ =	sdelay $0x1  }
0x25b: {  	v18 =	vld [tilespmem:$0x3750];
	_ =	sdelay $0x1  }
0x25c: {  	v19 =	vld [tilespmem:$0x3760]  }
0x25d: {  	v20 =	vadd.f32 $0.0e+00, v0  }
0x25e: {  	v21 =	vld [tilespmem:$0x3770]  }
0x25f: {  	v0 =	vmul.f32 v0, v0;
	v22 =	vmul.f32 v18, v18;
	v1 =	vadd.f32 v18, v20  }
0x260: {  	v23 =	vld [tilespmem:$0x3780]  }
0x261: {  	v24 =	vmul.f32 v19, v19;
	v0 =	vadd.f32 v22, v0;
	v1 =	vadd.f32 v19, v1  }
0x262: {  	v25 =	vld [tilespmem:$0x3790]  }
0x263: {  	v26 =	vmul.f32 v21, v21;
	v0 =	vadd.f32 v24, v0;
	v1 =	vadd.f32 v21, v1  }
0x264: {  	v27 =	vld [tilespmem:$0x37A0]  }
0x265: {  	v28 =	vmul.f32 v23, v23;
	v0 =	vadd.f32 v26, v0;
	v1 =	vadd.f32 v23, v1  }
0x266: {  	v29 =	vld [tilespmem:$0x37B0]  }
0x267: {  	v30 =	vmul.f32 v25, v25;
	v0 =	vadd.f32 v28, v0;
	v1 =	vadd.f32 v25, v1  }
0x268: {  	v31 =	vld [tilespmem:$0x37C0]  }
0x269: {  	v32 =	vmul.f32 v27, v27;
	v0 =	vadd.f32 v30, v0;
	v1 =	vadd.f32 v27, v1  }
0x26a: {  	v33 =	vld [tilespmem:$0x37D0]  }
0x26b: {  	v34 =	vmul.f32 v29, v29;
	v0 =	vadd.f32 v32, v0;
	v1 =	vadd.f32 v29, v1  }
0x26c: {  	v35 =	vld [tilespmem:$0x37E0]  }
0x26d: {  	v36 =	vmul.f32 v31, v31;
	v0 =	vadd.f32 v34, v0;
	v1 =	vadd.f32 v31, v1  }
0x26e: {  	v37 =	vld [tilespmem:$0x37F0]  }
0x26f: {  	v38 =	vmul.f32 v33, v33;
	v0 =	vadd.f32 v36, v0;
	v1 =	vadd.f32 v33, v1  }
0x270: {  	v39 =	vld [tilespmem:$0x3800]  }
0x271: {  	v40 =	vmul.f32 v35, v35;
	v0 =	vadd.f32 v38, v0;
	v1 =	vadd.f32 v35, v1  }
0x272: {  	v41 =	vld [tilespmem:$0x3810]  }
0x273: {  	v42 =	vmul.f32 v37, v37;
	v0 =	vadd.f32 v40, v0;
	v1 =	vadd.f32 v37, v1  }
0x274: {  	v43 =	vld [tilespmem:$0x3820]  }
0x275: {  	v44 =	vmul.f32 v39, v39;
	v0 =	vadd.f32 v42, v0;
	v1 =	vadd.f32 v39, v1  }
0x276: {  	v45 =	vld [tilespmem:$0x3830]  }
0x277: {  	v46 =	vmul.f32 v41, v41;
	v0 =	vadd.f32 v44, v0;
	v1 =	vadd.f32 v41, v1  }
0x278: {  	v47 =	vld [tilespmem:$0x3840]  }
0x279: {  	v48 =	vmul.f32 v43, v43;
	v0 =	vadd.f32 v46, v0;
	v1 =	vadd.f32 v43, v1  }
0x27a: {  	v49 =	vld [tilespmem:$0x3850]  }
0x27b: {  	v50 =	vmul.f32 v45, v45;
	v0 =	vadd.f32 v48, v0;
	v1 =	vadd.f32 v45, v1  }
0x27c: {  	v51 =	vld [tilespmem:$0x3860]  }
0x27d: {  	v52 =	vmul.f32 v47, v47;
	v0 =	vadd.f32 v50, v0;
	v1 =	vadd.f32 v47, v1  }
0x27e: {  	v53 =	vld [tilespmem:$0x3870]  }
0x27f: {  	v54 =	vmul.f32 v49, v49;
	v0 =	vadd.f32 v52, v0;
	v1 =	vadd.f32 v49, v1  }
0x280: {  	v55 =	vld [tilespmem:$0x3880]  }
0x281: {  	v56 =	vmul.f32 v51, v51;
	v0 =	vadd.f32 v54, v0;
	v1 =	vadd.f32 v51, v1  }
0x282: {  	v57 =	vld [tilespmem:$0x3890]  }
0x283: {  	v58 =	vmul.f32 v53, v53;
	v0 =	vadd.f32 v56, v0;
	v1 =	vadd.f32 v53, v1  }
0x284: {  	v59 =	vld [tilespmem:$0x38A0]  }
0x285: {  	v60 =	vmul.f32 v55, v55;
	v0 =	vadd.f32 v58, v0;
	v1 =	vadd.f32 v55, v1  }
0x286: {  	v61 =	vld [tilespmem:$0x38B0]  }
0x287: {  	v62 =	vmul.f32 v57, v57;
	v0 =	vadd.f32 v60, v0;
	v1 =	vadd.f32 v57, v1  }
0x288: {  	v63 =	vld [tilespmem:$0x38C0]  }
0x289: {  	v8 =	vmul.f32 v59, v59;
	v0 =	vadd.f32 v62, v0;
	v1 =	vadd.f32 v59, v1  }
0x28a: {  	v9 =	vld [tilespmem:$0x38D0]  }
0x28b: {  	v10 =	vmul.f32 v61, v61;
	v0 =	vadd.f32 v8, v0;
	v1 =	vadd.f32 v61, v1;
	_ =	sdelay $0x1  }
0x28c: {  	v11 =	vmul.f32 v63, v63;
	v0 =	vadd.f32 v10, v0;
	v1 =	vadd.f32 v63, v1;
	_ =	sdelay $0x1  }
0x28d: {  	v12 =	vmul.f32 v9, v9;
	v0 =	vadd.f32 v11, v0;
	v1 =	vadd.f32 v9, v1;
	_ =	sdelay $0x1  }
0x28e: {  	v0 =	vadd.f32 v12, v0;
	v1 =	vmul.f32 v1, v1;
	_ =	sdelay $0x1  }
0x28f: {  	v0 =	vsub.f32 v1, v0;
	_ =	sdelay $0x1  }
0x290: {  	v0 =	vmul.f32 $5.000000000e-01, v0;
	_ =	sdelay $0x1  }
0x291: {  	[tilespmem:s31+$0x0] =	vst v0  }
0x292: {  	v0 =	vld [tilespmem:$0x38E0];
	_ =	sdelay $0x1  }
0x293: {  	v13 =	vld [tilespmem:$0x38F0];
	_ =	sdelay $0x1  }
0x294: {  	v14 =	vld [tilespmem:$0x3900]  }
0x295: {  	v15 =	vadd.f32 $0.0e+00, v0  }
0x296: {  	v16 =	vld [tilespmem:$0x3910]  }
0x297: {  	v0 =	vmul.f32 v0, v0;
	v17 =	vmul.f32 v13, v13;
	v1 =	vadd.f32 v13, v15  }
0x298: {  	v18 =	vld [tilespmem:$0x3920]  }
0x299: {  	v19 =	vmul.f32 v14, v14;
	v0 =	vadd.f32 v17, v0;
	v1 =	vadd.f32 v14, v1  }
0x29a: {  	v20 =	vld [tilespmem:$0x3930]  }
0x29b: {  	v21 =	vmul.f32 v16, v16;
	v0 =	vadd.f32 v19, v0;
	v1 =	vadd.f32 v16, v1  }
0x29c: {  	v22 =	vld [tilespmem:$0x3940]  }
0x29d: {  	v23 =	vmul.f32 v18, v18;
	v0 =	vadd.f32 v21, v0;
	v1 =	vadd.f32 v18, v1  }
0x29e: {  	v24 =	vld [tilespmem:$0x3950]  }
0x29f: {  	v25 =	vmul.f32 v20, v20;
	v0 =	vadd.f32 v23, v0;
	v1 =	vadd.f32 v20, v1  }
0x2a0: {  	v26 =	vld [tilespmem:$0x3960]  }
0x2a1: {  	v27 =	vmul.f32 v22, v22;
	v0 =	vadd.f32 v25, v0;
	v1 =	vadd.f32 v22, v1  }
0x2a2: {  	v28 =	vld [tilespmem:$0x3970]  }
0x2a3: {  	v29 =	vmul.f32 v24, v24;
	v0 =	vadd.f32 v27, v0;
	v1 =	vadd.f32 v24, v1  }
0x2a4: {  	v30 =	vld [tilespmem:$0x3980]  }
0x2a5: {  	v31 =	vmul.f32 v26, v26;
	v0 =	vadd.f32 v29, v0;
	v1 =	vadd.f32 v26, v1  }
0x2a6: {  	v32 =	vld [tilespmem:$0x3990]  }
0x2a7: {  	v33 =	vmul.f32 v28, v28;
	v0 =	vadd.f32 v31, v0;
	v1 =	vadd.f32 v28, v1  }
0x2a8: {  	v34 =	vld [tilespmem:$0x39A0]  }
0x2a9: {  	v35 =	vmul.f32 v30, v30;
	v0 =	vadd.f32 v33, v0;
	v1 =	vadd.f32 v30, v1  }
0x2aa: {  	v36 =	vld [tilespmem:$0x39B0]  }
0x2ab: {  	v37 =	vmul.f32 v32, v32;
	v0 =	vadd.f32 v35, v0;
	v1 =	vadd.f32 v32, v1  }
0x2ac: {  	v38 =	vld [tilespmem:$0x39C0]  }
0x2ad: {  	v39 =	vmul.f32 v34, v34;
	v0 =	vadd.f32 v37, v0;
	v1 =	vadd.f32 v34, v1  }
0x2ae: {  	v40 =	vld [tilespmem:$0x39D0]  }
0x2af: {  	v41 =	vmul.f32 v36, v36;
	v0 =	vadd.f32 v39, v0;
	v1 =	vadd.f32 v36, v1  }
0x2b0: {  	v42 =	vld [tilespmem:$0x39E0]  }
0x2b1: {  	v43 =	vmul.f32 v38, v38;
	v0 =	vadd.f32 v41, v0;
	v1 =	vadd.f32 v38, v1  }
0x2b2: {  	v44 =	vld [tilespmem:$0x39F0]  }
0x2b3: {  	v45 =	vmul.f32 v40, v40;
	v0 =	vadd.f32 v43, v0;
	v1 =	vadd.f32 v40, v1  }
0x2b4: {  	v46 =	vld [tilespmem:$0x3A00]  }
0x2b5: {  	v47 =	vmul.f32 v42, v42;
	v0 =	vadd.f32 v45, v0;
	v1 =	vadd.f32 v42, v1  }
0x2b6: {  	v48 =	vld [tilespmem:$0x3A10]  }
0x2b7: {  	v49 =	vmul.f32 v44, v44;
	v0 =	vadd.f32 v47, v0;
	v1 =	vadd.f32 v44, v1  }
0x2b8: {  	v50 =	vld [tilespmem:$0x3A20]  }
0x2b9: {  	v51 =	vmul.f32 v46, v46;
	v0 =	vadd.f32 v49, v0;
	v1 =	vadd.f32 v46, v1  }
0x2ba: {  	v52 =	vld [tilespmem:$0x3A30]  }
0x2bb: {  	v53 =	vmul.f32 v48, v48;
	v0 =	vadd.f32 v51, v0;
	v1 =	vadd.f32 v48, v1  }
0x2bc: {  	v54 =	vld [tilespmem:$0x3A40]  }
0x2bd: {  	v55 =	vmul.f32 v50, v50;
	v0 =	vadd.f32 v53, v0;
	v1 =	vadd.f32 v50, v1  }
0x2be: {  	v56 =	vld [tilespmem:$0x3A50]  }
0x2bf: {  	v57 =	vmul.f32 v52, v52;
	v0 =	vadd.f32 v55, v0;
	v1 =	vadd.f32 v52, v1  }
0x2c0: {  	v58 =	vld [tilespmem:$0x3A60]  }
0x2c1: {  	v59 =	vmul.f32 v54, v54;
	v0 =	vadd.f32 v57, v0;
	v1 =	vadd.f32 v54, v1  }
0x2c2: {  	v60 =	vld [tilespmem:$0x3A70]  }
0x2c3: {  	v61 =	vmul.f32 v56, v56;
	v0 =	vadd.f32 v59, v0;
	v1 =	vadd.f32 v56, v1;
	_ =	sdelay $0x1  }
0x2c4: {  	v62 =	vmul.f32 v58, v58;
	v0 =	vadd.f32 v61, v0;
	v1 =	vadd.f32 v58, v1;
	_ =	sdelay $0x1  }
0x2c5: {  	v63 =	vmul.f32 v60, v60;
	v0 =	vadd.f32 v62, v0;
	v1 =	vadd.f32 v60, v1;
	_ =	sdelay $0x1  }
0x2c6: {  	v0 =	vadd.f32 v63, v0;
	v1 =	vmul.f32 v1, v1;
	_ =	sdelay $0x1  }
0x2c7: {  	v0 =	vsub.f32 v1, v0;
	_ =	sdelay $0x1  }
0x2c8: {  	s12 =	sadd.s32 $0x1, s12;
	v0 =	vmul.f32 $5.000000000e-01, v0  }
0x2c9: {  	p0 =	sne.s32 s12, s6  }
.Ltmp1:
0x2ca: {  	[tilespmem:s31+$0x10] =	vst v0;
	(pc) =	sbr.rel @p0 .LBB2_1-.Ltmp1, $4  }
0x2cb: {  	[hbm4b:s5+s2] =	stream.linear.scatter [tilespmem:s11], [sflag:$0x2], $0x2000, $0x38;
	[tilespmem:$0x5A80] =	vst v63  }
0x2cc: {  	_ =	swait.ge [sflag:s7], $0x2000  }
0x2cd: {  	[sflag:s7] =	ssyncset.done $0x0  }
0x2ce: {  	[sflag:s7] =	ssyncadd.s32 $0xFFFFE000  }
0x2cf: {  	_ =	sfence.sel $0x180000  }
0x2d0: {  	[bflag:$0x0] =	sbarrier.arrive $0xFFFF  }
0x2d1: {  	p0 =	sne.s32 s1, $0x0;
	_ =	strace $0x90000047  }
0x2d2: {  	s0 =	sadd.s32 @!p0 $0x100000, s0;
	[bflag:$0x2] =	sbarrier.arrive $0xFFFF  }
0x2d3: {  	[sflag:s0] =	ssyncadd.tile.s32 @!p0 $0x1;
	_ =	shalt  }
.Lfunc_end2:
_tile_overlayer_lowered:
.L_overlay_start_2:
0x2d4: {  	(tag) =	ssettag $0x2  }
0x2d5: {  	s0 =	rddreg [dreg:$0x0];
	s2 =	stileid.u32  }
0x2d6: {  	s1 =	rddreg [dreg:$0x1];
	p0 =	sne.s32 s2, $0x0  }
0x2d7: {  	s3 =	rddreg [dreg:$0x2];
	[bflag:$0x3] =	sbarrier.arrive $0xFFFF;
	s2 =	simm.s32 @!p0 $0x1C02  }
0x2d8: {  	[timem:s3], [sflag:s2] =	dma.local @!p0 [hbm:s0], s1  }
0x2d9: {  	s0 =	simm.s32 @!p0 $0x2  }
0x2da: {  	_ =	swait.ge @!p0 [sflag:s0], s1  }
0x2db: {  	s1 =	ssub.s32 @!p0 $0x0, s1;
	[sflag:s0] =	ssyncset.done @!p0 $0x0  }
0x2dc: {  	[sflag:s0] =	ssyncadd.s32 @!p0 s1  }
0x2dd: {  	[bflag:$0x3] =	sbarrier.arrive $0xFFFF  }
0x2de: {  	_ =	shalt  }

// kernel: _sc_gather_fm.7.cloned.1.call-start
scs
__scs_entry_jumppad:
0x0: {  	(pc) =	sbr.rel $0x88, $3  }
0x1: {  	(tag) =	ssettag $0x0;
	lr =	simm.s32 $0x1  }
0x2: {  	[smem:$0x3F9E] =	sst lr;
	_ =	strace $0xD0000000  }
0x3: {  	_ = 	snop  }
0x4: {  	_ = 	snop  }
0x5: {  	_ = 	snop  }
0x6: {  	_ = 	snop  }
0x7: {  	_ = 	snop  }
__scs_overlays_trampoline_lowered:
0x8: {  	[smem:$0x3FAD] =	sst s0  }
0x9: {  	[smem:$0x3FAE] =	sst s1  }
0xa: {  	[smem:$0x3FAF] =	sst s2  }
0xb: {  	[smem:$0x3FB0] =	sst s3  }
0xc: {  	[smem:$0x3FB1] =	sst s4  }
0xd: {  	[smem:$0x3FB2] =	sst s5  }
0xe: {  	[smem:$0x3FB3] =	sst s6  }
0xf: {  	[smem:$0x3FB4] =	sst s7  }
0x10: {  	[smem:$0x3FB5] =	sst s8  }
0x11: {  	[smem:$0x3FB6] =	sst s9;
	s0 =	simm.s32 @!p0 $0x0  }
0x12: {  	s1 =	sld [smem:$0x3F9C];
	s0 =	simm.s32 @p0 $0x1  }
0x13: {  	[smem:$0x3FB7] =	sst s0;
	s0 =	simm.s32 @!p1 $0x0  }
0x14: {  	s2 =	sld [smem:$0x3F9B];
	s0 =	simm.s32 @p1 $0x1  }
0x15: {  	[smem:$0x3FB8] =	sst s0;
	s0 =	simm.s32 @!p2 $0x0  }
0x16: {  	s3 =	sld [smem:$0x3FDB];
	s0 =	simm.s32 @p2 $0x1  }
0x17: {  	s4 =	simm.s32 $0x1BF5;
	[smem:$0x3FBA] =	sst s0  }
0x18: {  	s0 =	sld [smem:$0x3F9D];
	_ =	swait.ge [sflag:s4], $0x0  }
0x19: {  	s7 =	sld [smem:$0x3F9E]  }
0x1a: {  	s8 =	sadd.s32 $0xFFFFE003, lr  }
0x1b: {  	s9 =	sadd.s32 $0xFFFFFEF7, lr;
	s5 =	simm.s32 $0xFFFFFFFF;
	p2 =	slt.u32 s8, $0xFFFFF086  }
0x1c: {  	p1 =	slt.u32 s9, $0xF7A;
	s5 =	simm.s32 @!p2 $0x0  }
0x1d: {  	s5 =	simm.s32 @p1 $0x1;
	p0 =	seq.s32 s7, s2  }
0x1e: {  	s7 =	smul.u32 @!p0 $0xF7A, s2;
	p2 =	seq.s32 @!p0 s5, $0x0  }
0x1f: {  	s9 =	smul.u32 $0xF7A, s1;
	s8 =	simm.s32 @!p0 $0x1BF5;
	p2 =	por !p2, p0  }
0x20: {  	[sflag:s8] =	ssyncset.s32 @!p0 $0xFFFFF086;
	s6 =	sadd.s32 @!p0 s3, s7;
	s7 =	simm.s32 @!p0 $0x108  }
0x21: {  	s3 =	sadd.s32 s3, s9;
	s6 =	sadd.s32 @!p0 $0x88, s6;
	s7 =	simm.s32 @p2 $0x1082  }
0x22: {  	[simem:s7], [sflag:s8] =	dma.local @!p0 [hbm:s6], $0xF7A  }
0x23: {  	s9 =	sor.u32 $0xD0000000, s2;
	s6 =	simm.s32 $0x108;
	_ =	swait.ge @!p0 [sflag:s8], $0x0  }
0x24: {  	s3 =	sadd.s32 $0x88, s3;
	s6 =	simm.s32 @!p1 $0x1082;
	[sflag:s4] =	ssyncset.s32 $0xFFFFF086  }
0x25: {  	[simem:s6], [sflag:s4] =	dma.local [hbm:s3], $0xF7A  }
0x26: {  	[smem:$0x3F9E] =	sst s1;
	(tag) =	ssettag s2;
	_ =	strace s9  }
0x27: {  	s1 =	sld [smem:$0x3FAE]  }
0x28: {  	s2 =	sld [smem:$0x3FAF]  }
0x29: {  	s4 =	sld [smem:$0x3FB1]  }
0x2a: {  	p0 =	seq.s32 s5, $0x0;
	s5 =	sld [smem:$0x3FB2]  }
0x2b: {  	s6 =	sld [smem:$0x3FB3]  }
0x2c: {  	s7 =	sld [smem:$0x3FB4]  }
0x2d: {  	s3 =	simm.s32 $0x108;
	s8 =	sld [smem:$0x3FB5]  }
0x2e: {  	s3 =	simm.s32 @!p0 $0x1082;
	s9 =	sld [smem:$0x3FB6]  }
0x2f: {  	lr =	sadd.s32 s0, s3;
	s0 =	sld [smem:$0x3FAD]  }
0x30: {  	s3 =	sld [smem:$0x3FB0]  }
0x31: {  	[smem:$0x3FB9] =	sst s10  }
0x32: {  	s10 =	sld [smem:$0x3FB7];
	_ =	sdelay $0x3  }
0x33: {  	p0 =	seq.s32 s10, $0x1;
	s10 =	sld [smem:$0x3FB9];
	_ =	sdelay $0x3  }
0x34: {  	[smem:$0x3FB9] =	sst s10  }
0x35: {  	s10 =	sld [smem:$0x3FB8];
	_ =	sdelay $0x3  }
0x36: {  	p1 =	seq.s32 s10, $0x1;
	s10 =	sld [smem:$0x3FB9];
	_ =	sdelay $0x3  }
0x37: {  	[smem:$0x3FB9] =	sst s10  }
0x38: {  	s10 =	sld [smem:$0x3FBA]  }
0x39: {  	_ = 	snop;
	(pc) =	sbr.ind lr, $3  }
0x3a: {  	_ = 	snop  }
0x3b: {  	_ = 	snop  }
0x3c: {  	p2 =	seq.s32 s10, $0x1;
	s10 =	sld [smem:$0x3FB9]  }
0x3d: {  	_ =	shalt  }
0x3e: {  	_ =	shalt  }
0x3f: {  	_ =	shalt  }
0x40: {  	_ =	shalt  }
0x41: {  	_ =	shalt  }
0x42: {  	_ =	shalt  }
0x43: {  	_ =	shalt  }
0x44: {  	_ =	shalt  }
0x45: {  	_ =	shalt  }
0x46: {  	_ =	shalt  }
0x47: {  	_ =	shalt  }
0x48: {  	_ =	shalt  }
0x49: {  	_ =	shalt  }
0x4a: {  	_ =	shalt  }
0x4b: {  	_ =	shalt  }
0x4c: {  	_ =	shalt  }
0x4d: {  	_ =	shalt  }
0x4e: {  	_ =	shalt  }
0x4f: {  	_ =	shalt  }
0x50: {  	_ =	shalt  }
0x51: {  	_ =	shalt  }
0x52: {  	_ =	shalt  }
0x53: {  	_ =	shalt  }
0x54: {  	_ =	shalt  }
0x55: {  	_ =	shalt  }
0x56: {  	_ =	shalt  }
0x57: {  	_ =	shalt  }
0x58: {  	_ =	shalt  }
0x59: {  	_ =	shalt  }
0x5a: {  	_ =	shalt  }
0x5b: {  	_ =	shalt  }
0x5c: {  	_ =	shalt  }
0x5d: {  	_ =	shalt  }
0x5e: {  	_ =	shalt  }
0x5f: {  	_ =	shalt  }
0x60: {  	_ =	shalt  }
0x61: {  	_ =	shalt  }
0x62: {  	_ =	shalt  }
0x63: {  	_ =	shalt  }
0x64: {  	_ =	shalt  }
0x65: {  	_ =	shalt  }
0x66: {  	_ =	shalt  }
0x67: {  	_ =	shalt  }
0x68: {  	_ =	shalt  }
0x69: {  	_ =	shalt  }
0x6a: {  	_ =	shalt  }
0x6b: {  	_ =	shalt  }
0x6c: {  	_ =	shalt  }
0x6d: {  	_ =	shalt  }
0x6e: {  	_ =	shalt  }
0x6f: {  	_ =	shalt  }
0x70: {  	_ =	shalt  }
0x71: {  	_ =	shalt  }
0x72: {  	_ =	shalt  }
0x73: {  	_ =	shalt  }
0x74: {  	_ =	shalt  }
0x75: {  	_ =	shalt  }
0x76: {  	_ =	shalt  }
0x77: {  	_ =	shalt  }
0x78: {  	_ =	shalt  }
0x79: {  	_ =	shalt  }
0x7a: {  	_ =	shalt  }
0x7b: {  	_ =	shalt  }
0x7c: {  	_ =	shalt  }
0x7d: {  	_ =	shalt  }
0x7e: {  	_ =	shalt  }
0x7f: {  	_ =	shalt  }
0x80: {  	_ =	shalt  }
0x81: {  	_ =	shalt  }
0x82: {  	_ =	shalt  }
0x83: {  	_ =	shalt  }
0x84: {  	_ =	shalt  }
0x85: {  	_ =	shalt  }
0x86: {  	_ =	shalt  }
0x87: {  	_ =	shalt  }
.Lfunc_end0:
.L_simem_size_0:
called_computation.1_lowered:
.L_overlay_start_0:
0x88: {  	s2 =	sld [smem:$0x3FD9]  }
0x89: {  	s3 =	sld [smem:$0x3FFE];
	_ =	sdelay $0x1  }
0x8a: {  	s1 =	srdreg.scid  }
0x8b: {  	s0 =	sand.u32 $0x1, s1  }
0x8c: {  	s16 =	sshll.u32 s0, $0xA;
	s2 =	sadd.s32 s3, s2  }
0x8d: {  	s2 =	sadd.s32 s2, s16  }
0x8e: {  	[smem:$0x3FC5] =	sst s2  }
0x8f: {  	_ = 	snop  }
0x90: {  	s4 =	sld [smem:$0x3FD0];
	_ =	sdelay $0x1  }
0x91: {  	s2 =	sld [smem:$0x3FC9]  }
0x92: {  	s5 =	simm.s32 $0xB;
	s6 =	simm.s32 $0x10;
	s17 =	sld [smem:$0x3FC7]  }
0x93: {  	[smem:s6], [sflag:s5] =	dma.local [hbm:s4], $0x1  }
0x94: {  	_ =	swait.eq [sflag:s5], $0x1  }
0x95: {  	[sflag:s5] =	ssyncset.done $0x0  }
0x96: {  	[sflag:s5] =	ssyncadd.s32 $0xFFFFFFFF  }
0x97: {  	s18 =	sld [smem:$0x11];
	(tm) =	ssettm $0x1  }
0x98: {  	s19 =	sld [smem:$0x3FFB];
	_ =	sdelay $0x3  }
0x99: {  	_ =	strace s19  }
0x9a: {  	s4 =	sld [smem:$0x3FFC];
	_ =	sdelay $0x3  }
0x9b: {  	_ =	strace s4  }
0x9c: {  	s4 =	sld [smem:$0x3FFD];
	_ =	sdelay $0x3  }
0x9d: {  	_ =	strace s4  }
0x9e: {  	_ =	strace $0x8FFFFFFF  }
0x9f: {  	s20 =	sld [smem:$0x3FDB];
	_ =	sdelay $0x1  }
0xa0: {  	s21 =	simm.s32 $_scs_section_size  }
0xa1: {  	s7 =	simm.s32 $_size__tile_overlayer_lowered;
	s8 =	simm.s32 $_tile_overlayer_lowered  }
0xa2: {  	s9 =	simm.s32 $0x1BFF;
	s22 =	sshll.u32 s8, $0x1;
	s6 =	sadd.s32 s21, s20  }
0xa3: {  	s23 =	simm.s32 $0x0;
	s7 =	sshll.u32 s7, $0x1;
	s8 =	sadd.s32 s22, s6  }
0xa4: {  	[timem:s23], [sflag:s9] =	dma.local [hbm:s8], s7  }
0xa5: {  	_ =	swait.ge [sflag:s9], s7  }
0xa6: {  	s7 =	ssub.s32 $0x0, s7;
	[sflag:s9] =	ssyncset.done $0x0  }
0xa7: {  	[sflag:s9] =	ssyncadd.s32 s7;
	_ =	sdelay $0x1  }
0xa8: {  	s24 =	simm.s32 $0x1B8B  }
0xa9: {  	_ =	swait.ge [sflag:s24], $0x1  }
0xaa: {  	[sflag:s24] =	ssyncset.done $0x0  }
0xab: {  	[sflag:s24] =	ssyncadd.s32 $0xFFFFFFFF  }
0xac: {  	s7 =	sld [smem:$0x0]  }
0xad: {  	s8 =	sand.u32 $0xFFFFFFFE, s1  }
0xae: {  	p0 =	sne.s32 s1, s8  }
0xaf: {  	s8 =	sshll.u32 @p0 s8, $0xE  }
0xb0: {  	s8 =	sadd.s32 @p0 $0x11B8D, s8;
	s9 =	sshll.u32 @p0 s7, $0x11  }
0xb1: {  	s8 =	sor.u32 @p0 s9, s8  }
0xb2: {  	[sflag:s8] =	ssyncadd.remote.s32 @p0 $0x1;
	_ =	sdelay $0x1  }
0xb3: {  	s8 =	simm.s32 @p0 $0x1B8D  }
0xb4: {  	_ =	swait.eq @p0 [sflag:s8], $0x1  }
0xb5: {  	[sflag:s8] =	ssyncadd.s32 @p0 $0xFFFFFFFF  }
0xb6: {  	s9 =	sshll.u32 @!p0 s1, $0xE  }
0xb7: {  	s9 =	sor.u32 @!p0 $0x4000, s9;
	s8 =	simm.s32 @!p0 $0x1B8D  }
0xb8: {  	s7 =	sshll.u32 @!p0 s7, $0x11;
	s9 =	sadd.s32 @!p0 $0x11B8D, s9;
	_ =	swait.eq @!p0 [sflag:s8], $0x1  }
0xb9: {  	s7 =	sor.u32 @!p0 s7, s9;
	[sflag:s8] =	ssyncadd.s32 @!p0 $0xFFFFFFFF  }
0xba: {  	s25 =	simm.s32 $0x1B8E;
	[sflag:s7] =	ssyncadd.remote.s32 @!p0 $0x1  }
0xbb: {  	s26 =	simm.s32 $execute0_lowered;
	[smem:$0x3FD2] =	sst s25  }
0xbc: {  	s7 =	sshll.u32 s26, $0x1;
	_ =	strace $0x80000049;
	[dreg:$0x1] =	wrdreg $0xFFFFFFFF  }
0xbd: {  	s28 =	simm.s32 $_size_execute0_lowered;
	s6 =	sadd.s32 s6, s7;
	[dreg:$0x0] =	wrdreg $0x0  }
0xbe: {  	s7 =	sshll.u32 s28, $0x1;
	[dreg:$0x2] =	wrdreg s6  }
0xbf: {  	[dreg:$0x3] =	wrdreg s7  }
0xc0: {  	[dreg:$0x4] =	wrdreg $0xC0  }
0xc1: {  	_ =	task [dreg:s23], $0x5FFFF  }
0xc2: {  	[dreg:$0x1] =	wrdreg $0xFFFFFFFF  }
0xc3: {  	[dreg:$0x0] =	wrdreg $0x60  }
0xc4: {  	[dreg:$0x2] =	wrdreg s2  }
0xc5: {  	[dreg:$0x3] =	wrdreg s17  }
0xc6: {  	[dreg:$0x4] =	wrdreg s18  }
0xc7: {  	[dreg:$0x5] =	wrdreg $0xA  }
0xc8: {  	_ =	task.clear_ibuf [dreg:s23], $0x6FFFF;
	_ =	strace $0x90000049  }
0xc9: {  	s29 =	simm.s32 $0xA;
	_ =	strace $0x8000004B  }
0xca: {  	_ =	swait.ge [sflag:s29], $0x1  }
0xcb: {  	[sflag:s29] =	ssyncadd.s32 $0xFFFFFFFF  }
0xcc: {  	_ =	strace $0x9000004B  }
0xcd: {  	_ =	sfence  }
0xce: {  	s30 =	sld [smem:$0x0];
	_ =	sdelay $0x2  }
0xcf: {  	s31 =	sshll.u32 s1, $0xD;
	s1 =	sshrl.u32 s1, $0x2  }
0xd0: {  	s3 =	sand.u32 $0x4000, s31;
	s1 =	sadd.s32 s1, s30  }
0xd1: {  	s0 =	sor.u32 s3, s0;
	s1 =	sshll.u32 s1, $0x11  }
0xd2: {  	s0 =	sor.u32 s1, s0  }
0xd3: {  	s0 =	sadd.s32 $0x8F2B, s0  }
0xd4: {  	[sflag:s0] =	ssyncadd.remote.s32 $0x1  }
0xd5: {  	_ =	sfence.sel $0xFFFF  }
0xd6: {  	[dreg:$0x0] =	wrdreg $0xFFFFFFFF;
	(pc) =	sbr.abs _section_cstart, $3  }
0xd7: {  	[dreg:$0x1] =	wrdreg $0xFFFFFFFF  }
0xd8: {  	_ =	task.clear_ibuf [dreg:s23], $0x2FFFF;
	_ =	strace $0x9FFFFFFF  }
0xd9: {  	(tm) =	ssettm $0x7FFFFFFF  }
tec
execute0_lowered:
.L_overlay_start_1:
0x0: {  	(tag) =	ssettag $0x1  }
0x1: {  	v0 =	vimm.s32 $0x4E341A00;
	v1 =	vimm.s32 $0x4F351B01  }
0x2: {  	vm0 =	vcmask $0xF00;
	v2 =	vimm.s32 $0x50361C02;
	v3 =	vimm.s32 $0x51371D03  }
0x3: {  	v4 =	vimm.s32 $0x52381E04;
	v5 =	vimm.s32 $0x53391F05;
	v6 =	vimm.s32 $0x543A2006  }
0x4: {  	v7 =	vimm.s32 $0x553B2107;
	v8 =	vimm.s32 $0x563C2208;
	v9 =	vimm.s32 $0x573D2309  }
0x5: {  	v10 =	vimm.s32 $0x583E240A;
	v11 =	vimm.s32 $0x593F250B;
	v12 =	vimm.s32 $0x5A40260C  }
0x6: {  	v13 =	vimm.s32 $0x5B41270D;
	v14 =	vimm.s32 $0x5C42280E;
	v15 =	vimm.s32 $0x5D43290F  }
0x7: {  	v16 =	vimm.s32 $0x5E442A10;
	v17 =	vimm.s32 $0x5F452B11;
	v18 =	vimm.s32 $0x60462C12  }
0x8: {  	v19 =	vimm.s32 $0x61472D13;
	v20 =	vimm.s32 $0x62482E14;
	v21 =	vimm.s32 $0x63492F15  }
0x9: {  	v22 =	vimm.s32 $0x644A3016;
	v23 =	vimm.s32 $0x654B3117;
	v24 =	vimm.s32 $0x664C3218  }
0xa: {  	v25 =	vimm.s32 $0x674D3319;
	v26 =	vlaneseq.u32;
	v0 =	vunpack.c.0.s8.s32 v0  }
0xb: {  	v1 =	vunpack.c.0.s8.s32 v1;
	v2 =	vunpack.c.0.s8.s32 v2;
	v3 =	vunpack.c.0.s8.s32 v3  }
0xc: {  	v4 =	vunpack.c.0.s8.s32 v4;
	v5 =	vunpack.c.0.s8.s32 v5;
	v6 =	vunpack.c.0.s8.s32 v6  }
0xd: {  	v7 =	vunpack.c.0.s8.s32 v7;
	v8 =	vunpack.c.0.s8.s32 v8;
	v9 =	vunpack.c.0.s8.s32 v9  }
0xe: {  	v10 =	vunpack.c.0.s8.s32 v10;
	v11 =	vunpack.c.0.s8.s32 v11;
	v12 =	vunpack.c.0.s8.s32 v12  }
0xf: {  	v13 =	vunpack.c.0.s8.s32 v13;
	v14 =	vunpack.c.0.s8.s32 v14;
	v15 =	vunpack.c.0.s8.s32 v15  }
0x10: {  	v16 =	vunpack.c.0.s8.s32 v16;
	v17 =	vunpack.c.0.s8.s32 v17;
	v18 =	vunpack.c.0.s8.s32 v18  }
0x11: {  	s4 =	rddreg [dreg:$0x0];
	v19 =	vunpack.c.0.s8.s32 v19;
	v20 =	vunpack.c.0.s8.s32 v20;
	v21 =	vunpack.c.0.s8.s32 v21  }
0x12: {  	s0 =	rddreg [dreg:$0x1];
	v22 =	vunpack.c.0.s8.s32 v22;
	v23 =	vunpack.c.0.s8.s32 v23;
	v24 =	vunpack.c.0.s8.s32 v24  }
0x13: {  	s5 =	rddreg [dreg:$0x2];
	v25 =	vunpack.c.0.s8.s32 v25;
	v0 =	vnsel vm0, $0x67, v0;
	v1 =	vnsel vm0, $0x67, v1  }
0x14: {  	s3 =	srdreg.scid;
	s1 =	stileid.u32;
	v2 =	vnsel vm0, $0x67, v2;
	v3 =	vnsel vm0, $0x67, v3;
	v4 =	vnsel vm0, $0x67, v4  }
0x15: {  	s2 =	rddreg [dreg:$0x3];
	s10 =	simm.s32 $0x1;
	s11 =	simm.s32 $0x3468;
	v5 =	vnsel vm0, $0x67, v5;
	v6 =	vnsel vm0, $0x67, v6;
	v7 =	vnsel vm0, $0x67, v7  }
0x16: {  	s12 =	simm.s32 $0x0;
	s6 =	sand.u32 $0x1, s3;
	s7 =	sshll.u32 s1, $0x1;
	v8 =	vnsel vm0, $0x67, v8;
	v9 =	vnsel vm0, $0x67, v9;
	v10 =	vnsel vm0, $0x67, v10  }
0x17: {  	s3 =	simm.s32 $0x0;
	s8 =	ssub.s32 $0x2, s6;
	s6 =	sor.u32 s6, s7;
	v11 =	vnsel vm0, $0x67, v11;
	v12 =	vnsel vm0, $0x67, v12;
	v13 =	vnsel vm0, $0x67, v13  }
0x18: {  	[smem:$0x7FF] =	sst s3;
	v14 =	vnsel vm0, $0x67, v14;
	v15 =	vnsel vm0, $0x67, v15;
	v16 =	vnsel vm0, $0x67, v16;
	s31 =	sshrl.u32 s8, $0x1;
	s9 =	smul.u32 $0x680, s6  }
0x19: {  	v17 =	vnsel vm0, $0x67, v17;
	v18 =	vnsel vm0, $0x67, v18;
	v19 =	vnsel vm0, $0x67, v19;
	_ =	strace $0x8000004A;
	s6 =	sshll.u32 s6, $0x6;
	s7 =	ssub.s32 s8, s31  }
0x1a: {  	v20 =	vnsel vm0, $0x67, v20;
	v21 =	vnsel vm0, $0x67, v21;
	v22 =	vnsel vm0, $0x67, v22;
	s5 =	sadd.s32 s5, s6;
	s8 =	simm.s32 $0x68;
	s4 =	sadd.s32 s4, s9  }
0x1b: {  	v23 =	vnsel vm0, $0x67, v23;
	v24 =	vnsel vm0, $0x67, v24;
	v25 =	vnsel vm0, $0x67, v25;
	s6 =	smax.u32 s7, $0x1;
	s7 =	simm.s32 $0x2;
	s9 =	simm.s32 $0x3400  }
.LBB2_1:
0x1c: {  	[tilespmem:s3], [sflag:$0x2] =	stream.linear.gather [hbm4b:s4+s3], $0x3400, $0x38;
	[tilespmem:$0x3668] =	vst v63  }
0x1d: {  	_ =	swait.ge [sflag:s7], $0x3400  }
0x1e: {  	[sflag:s7] =	ssyncset.done $0x0  }
0x1f: {  	[sflag:s7] =	ssyncadd.s32 $0xFFFFCC00  }
0x20: {  	[tilespmem:s9], [sflag:$0x1] =	stream.indirect.gather [hbm4b:s0+s8], $0x1, s3, s8, $0xb8;
	[tilespmem:$0x3668] =	vst v63  }
0x21: {  	_ =	swait.ge [sflag:s10], $0x68  }
0x22: {  	[sflag:s10] =	ssyncset.done $0x0  }
0x23: {  	[sflag:s10] =	ssyncadd.s32 $0xFFFFFF98  }
0x24: {  	v27 =	vld.idx.msk [tilespmem:v0+s9+$0x0], $0xffff;
	_ =	sdelay $0x1  }
0x25: {  	v28 =	vld.idx.msk [tilespmem:v1+s9+$0x0], $0xffff;
	_ =	sdelay $0x1  }
0x26: {  	v29 =	vld.idx.msk [tilespmem:v2+s9+$0x0], $0xffff  }
0x27: {  	v27 =	vadd.f32 $0.0e+00, v27  }
0x28: {  	v30 =	vld.idx.msk [tilespmem:v3+s9+$0x0], $0xffff  }
0x29: {  	v27 =	vadd.f32 v28, v27  }
0x2a: {  	v28 =	vld.idx.msk [tilespmem:v4+s9+$0x0], $0xffff  }
0x2b: {  	v27 =	vadd.f32 v29, v27  }
0x2c: {  	v29 =	vld.idx.msk [tilespmem:v5+s9+$0x0], $0xffff  }
0x2d: {  	v27 =	vadd.f32 v30, v27  }
0x2e: {  	v30 =	vld.idx.msk [tilespmem:v6+s9+$0x0], $0xffff  }
0x2f: {  	v27 =	vadd.f32 v28, v27  }
0x30: {  	v28 =	vld.idx.msk [tilespmem:v7+s9+$0x0], $0xffff  }
0x31: {  	v27 =	vadd.f32 v29, v27  }
0x32: {  	v29 =	vld.idx.msk [tilespmem:v8+s9+$0x0], $0xffff  }
0x33: {  	v27 =	vadd.f32 v30, v27  }
0x34: {  	v30 =	vld.idx.msk [tilespmem:v9+s9+$0x0], $0xffff  }
0x35: {  	v27 =	vadd.f32 v28, v27  }
0x36: {  	v28 =	vld.idx.msk [tilespmem:v10+s9+$0x0], $0xffff  }
0x37: {  	v27 =	vadd.f32 v29, v27  }
0x38: {  	v29 =	vld.idx.msk [tilespmem:v11+s9+$0x0], $0xffff  }
0x39: {  	v27 =	vadd.f32 v30, v27  }
0x3a: {  	v30 =	vld.idx.msk [tilespmem:v12+s9+$0x0], $0xffff  }
0x3b: {  	v27 =	vadd.f32 v28, v27  }
0x3c: {  	v28 =	vld.idx.msk [tilespmem:v13+s9+$0x0], $0xffff  }
0x3d: {  	v27 =	vadd.f32 v29, v27  }
0x3e: {  	v29 =	vld.idx.msk [tilespmem:v14+s9+$0x0], $0xffff  }
0x3f: {  	v27 =	vadd.f32 v30, v27  }
0x40: {  	v30 =	vld.idx.msk [tilespmem:v15+s9+$0x0], $0xffff  }
0x41: {  	v27 =	vadd.f32 v28, v27  }
0x42: {  	v28 =	vld.idx.msk [tilespmem:v16+s9+$0x0], $0xffff  }
0x43: {  	v27 =	vadd.f32 v29, v27  }
0x44: {  	v29 =	vld.idx.msk [tilespmem:v17+s9+$0x0], $0xffff  }
0x45: {  	v27 =	vadd.f32 v30, v27  }
0x46: {  	v30 =	vld.idx.msk [tilespmem:v18+s9+$0x0], $0xffff  }
0x47: {  	v27 =	vadd.f32 v28, v27  }
0x48: {  	v28 =	vld.idx.msk [tilespmem:v19+s9+$0x0], $0xffff  }
0x49: {  	v27 =	vadd.f32 v29, v27  }
0x4a: {  	v29 =	vld.idx.msk [tilespmem:v20+s9+$0x0], $0xffff  }
0x4b: {  	v27 =	vadd.f32 v30, v27  }
0x4c: {  	v30 =	vld.idx.msk [tilespmem:v21+s9+$0x0], $0xffff  }
0x4d: {  	v27 =	vadd.f32 v28, v27  }
0x4e: {  	v28 =	vld.idx.msk [tilespmem:v22+s9+$0x0], $0xffff  }
0x4f: {  	v27 =	vadd.f32 v29, v27  }
0x50: {  	v29 =	vld.idx.msk [tilespmem:v23+s9+$0x0], $0xffff  }
0x51: {  	v27 =	vadd.f32 v30, v27  }
0x52: {  	v30 =	vld.idx.msk [tilespmem:v24+s9+$0x0], $0xffff  }
0x53: {  	v27 =	vadd.f32 v28, v27;
	_ =	sdelay $0x1  }
0x54: {  	v28 =	vld.idx.msk [tilespmem:v25+s9+$0x0], $0xffff;
	v27 =	vadd.f32 v29, v27;
	v29 =	vadd.s32 s3, v26  }
0x55: {  	vm0 =	vlt.s32 v29, $0x1FF  }
0x56: {  	v30 =	vadd.f32 v30, v27;
	v27 =	vnsel vm0, $0x1FF, v29;
	_ =	sdelay $0x2  }
0x57: {  	s13 =	simm.s32 $0x4;
	s14 =	simm.s32 $0x0;
	v28 =	vadd.f32 v28, v30  }
.LBB2_2:
0x58: {  	p0 =	sne.s32 s13, $0x1FC  }
0x59: {  	s14 =	sadd.s32 $0x68, s14;
	s15 =	smov.u32 s13;
	s13 =	sadd.s32 $0x4, s13;
	[tilespmem:v27+s11+$0x0] =	vst.idx.msk $0xf, v28  }
0x5a: {  	[tilespmem:s9], [sflag:$0x1] =	stream.indirect.gather [hbm4b:s0+s8], $0x1, s14, s8, $0xb8;
	[tilespmem:$0x3668] =	vst v63  }
0x5b: {  	_ =	swait.ge [sflag:s10], $0x68  }
0x5c: {  	[sflag:s10] =	ssyncset.done $0x0  }
0x5d: {  	[sflag:s10] =	ssyncadd.s32 $0xFFFFFF98  }
0x5e: {  	v27 =	vld.idx.msk [tilespmem:v0+s9+$0x0], $0xffff  }
0x5f: {  	v28 =	vld.idx.msk [tilespmem:v1+s9+$0x0], $0xffff  }
0x60: {  	v29 =	vld.idx.msk [tilespmem:v2+s9+$0x0], $0xffff  }
0x61: {  	v30 =	vld.idx.msk [tilespmem:v3+s9+$0x0], $0xffff  }
0x62: {  	v31 =	vld.idx.msk [tilespmem:v4+s9+$0x0], $0xffff  }
0x63: {  	v32 =	vld.idx.msk [tilespmem:v5+s9+$0x0], $0xffff  }
0x64: {  	v27 =	vadd.f32 $0.0e+00, v27;
	v33 =	vld.idx.msk [tilespmem:v6+s9+$0x0], $0xffff  }
0x65: {  	v34 =	vld.idx.msk [tilespmem:v7+s9+$0x0], $0xffff  }
0x66: {  	v27 =	vadd.f32 v28, v27;
	v28 =	vld.idx.msk [tilespmem:v8+s9+$0x0], $0xffff  }
0x67: {  	v35 =	vld.idx.msk [tilespmem:v9+s9+$0x0], $0xffff  }
0x68: {  	v27 =	vadd.f32 v29, v27;
	v29 =	vld.idx.msk [tilespmem:v10+s9+$0x0], $0xffff  }
0x69: {  	v36 =	vld.idx.msk [tilespmem:v11+s9+$0x0], $0xffff  }
0x6a: {  	v27 =	vadd.f32 v30, v27;
	v30 =	vld.idx.msk [tilespmem:v12+s9+$0x0], $0xffff  }
0x6b: {  	v37 =	vld.idx.msk [tilespmem:v13+s9+$0x0], $0xffff  }
0x6c: {  	v27 =	vadd.f32 v31, v27;
	v31 =	vld.idx.msk [tilespmem:v14+s9+$0x0], $0xffff  }
0x6d: {  	v38 =	vld.idx.msk [tilespmem:v15+s9+$0x0], $0xffff  }
0x6e: {  	v27 =	vadd.f32 v32, v27;
	v32 =	vld.idx.msk [tilespmem:v16+s9+$0x0], $0xffff  }
0x6f: {  	v39 =	vld.idx.msk [tilespmem:v17+s9+$0x0], $0xffff  }
0x70: {  	v27 =	vadd.f32 v33, v27;
	v33 =	vld.idx.msk [tilespmem:v18+s9+$0x0], $0xffff  }
0x71: {  	v40 =	vld.idx.msk [tilespmem:v19+s9+$0x0], $0xffff  }
0x72: {  	v27 =	vadd.f32 v34, v27;
	v34 =	vld.idx.msk [tilespmem:v20+s9+$0x0], $0xffff  }
0x73: {  	v41 =	vld.idx.msk [tilespmem:v21+s9+$0x0], $0xffff  }
0x74: {  	v27 =	vadd.f32 v28, v27;
	v28 =	vld.idx.msk [tilespmem:v22+s9+$0x0], $0xffff  }
0x75: {  	v42 =	vld.idx.msk [tilespmem:v23+s9+$0x0], $0xffff  }
0x76: {  	v27 =	vadd.f32 v35, v27;
	v35 =	vld.idx.msk [tilespmem:v24+s9+$0x0], $0xffff  }
0x77: {  	v43 =	vld.idx.msk [tilespmem:v25+s9+$0x0], $0xffff  }
0x78: {  	v27 =	vadd.f32 v29, v27;
	_ =	sdelay $0x1  }
0x79: {  	v27 =	vadd.f32 v36, v27;
	_ =	sdelay $0x1  }
0x7a: {  	v27 =	vadd.f32 v30, v27;
	_ =	sdelay $0x1  }
0x7b: {  	v27 =	vadd.f32 v37, v27;
	_ =	sdelay $0x1  }
0x7c: {  	v27 =	vadd.f32 v31, v27;
	_ =	sdelay $0x1  }
0x7d: {  	v27 =	vadd.f32 v38, v27;
	_ =	sdelay $0x1  }
0x7e: {  	v27 =	vadd.f32 v32, v27;
	_ =	sdelay $0x1  }
0x7f: {  	v27 =	vadd.f32 v39, v27;
	_ =	sdelay $0x1  }
0x80: {  	v27 =	vadd.f32 v33, v27;
	_ =	sdelay $0x1  }
0x81: {  	v27 =	vadd.f32 v40, v27;
	_ =	sdelay $0x1  }
0x82: {  	v27 =	vadd.f32 v34, v27;
	_ =	sdelay $0x1  }
0x83: {  	v27 =	vadd.f32 v41, v27;
	_ =	sdelay $0x1  }
0x84: {  	v27 =	vadd.f32 v28, v27  }
0x85: {  	v28 =	vadd.s32 s15, v26  }
.Ltmp0:
0x86: {  	vm0 =	vlt.s32 v28, $0x1FF;
	v29 =	vadd.f32 v42, v27;
	(pc) =	sbr.rel @p0 .LBB2_2-.Ltmp0, $3  }
0x87: {  	v27 =	vnsel vm0, $0x1FF, v28  }
0x88: {  	v28 =	vadd.f32 v35, v29;
	_ =	sdelay $0x1  }
0x89: {  	v28 =	vadd.f32 v43, v28  }
0x8a: {  	_ =	sdelay $0x1  }
0x8b: {  	s12 =	sadd.s32 $0x1, s12  }
0x8c: {  	p0 =	sne.s32 s12, s6  }
.Ltmp1:
0x8d: {  	[tilespmem:v27+s11+$0x0] =	vst.idx.msk $0xf, v28;
	(pc) =	sbr.rel @p0 .LBB2_1-.Ltmp1, $4  }
0x8e: {  	[hbm4b:s5+s3] =	stream.linear.scatter [tilespmem:s11], [sflag:$0x2], $0x200, $0x38;
	[tilespmem:$0x3668] =	vst v63  }
0x8f: {  	_ =	swait.ge [sflag:s7], $0x200  }
0x90: {  	[sflag:s7] =	ssyncset.done $0x0  }
0x91: {  	[sflag:s7] =	ssyncadd.s32 $0xFFFFFE00  }
0x92: {  	_ =	sfence.sel $0x180000  }
0x93: {  	[bflag:$0x0] =	sbarrier.arrive $0xFFFF  }
0x94: {  	p0 =	sne.s32 s1, $0x0;
	_ =	strace $0x9000004A  }
0x95: {  	s0 =	sadd.s32 @!p0 $0x100000, s2;
	[bflag:$0x2] =	sbarrier.arrive $0xFFFF  }
0x96: {  	[sflag:s0] =	ssyncadd.tile.s32 @!p0 $0x1;
	_ =	shalt  }
.Lfunc_end2:
_tile_overlayer_lowered:
.L_overlay_start_2:
0x97: {  	(tag) =	ssettag $0x2  }
0x98: {  	s0 =	rddreg [dreg:$0x0];
	s2 =	stileid.u32  }
0x99: {  	s1 =	rddreg [dreg:$0x1];
	p0 =	sne.s32 s2, $0x0  }
0x9a: {  	s3 =	rddreg [dreg:$0x2];
	[bflag:$0x3] =	sbarrier.arrive $0xFFFF;
	s2 =	simm.s32 @!p0 $0x1C02  }
0x9b: {  	[timem:s3], [sflag:s2] =	dma.local @!p0 [hbm:s0], s1  }
0x9c: {  	s0 =	simm.s32 @!p0 $0x2  }
0x9d: {  	_ =	swait.ge @!p0 [sflag:s0], s1  }
0x9e: {  	s1 =	ssub.s32 @!p0 $0x0, s1;
	[sflag:s0] =	ssyncset.done @!p0 $0x0  }
0x9f: {  	[sflag:s0] =	ssyncadd.s32 @!p0 s1  }
0xa0: {  	[bflag:$0x3] =	sbarrier.arrive $0xFFFF  }
0xa1: {  	_ =	shalt  }

</sc_bundles>
